<compile_context>
chip_gen: v7x
topology: tpu7x:2x2x1
jax: 0.10.2.dev20260603
libtpu: 0.0.44.dev20260713+nightly
codegen_flags: <defaults>
</compile_context>

<pallas_src>
import functools

import jax
import jax.numpy as jnp
from jax import lax
from jax.experimental import pallas as pl
from jax.experimental.pallas import tpu as pltpu
import jax.experimental.pallas.tpu_sc as plsc

N = 10000
D = 128
E = 320000

NC = 2
NS = 16
NW = NC * NS

CH = 128
ROWS_W = 80
SG = 40
EPAD = NW * ROWS_W * CH
NACC = 10112
STRIPE = NACC // NS



def _sc_degree_body(dstb, zeros, out, dst_v, ones_v, acc):
    c = lax.axis_index("c")
    s = lax.axis_index("s")
    w = s * NC + c
    pltpu.sync_copy(
        zeros.at[pl.ds(s * STRIPE, STRIPE)], acc.at[pl.ds(s * STRIPE, STRIPE)]
    )

    ones16 = jnp.ones((16,), jnp.float32)

    def fill_ones(k, carry):
        for j in range(D // 16):
            ones_v[k, pl.ds(16 * j, 16)] = ones16
        return carry

    lax.fori_loop(0, CH, fill_ones, 0)
    plsc.subcore_barrier()

    def outer(g, carry):
        pltpu.sync_copy(dstb.at[pl.ds(w * ROWS_W + g * 16, 16)], dst_v)

        def body(t, carry2):
            pltpu.sync_copy(ones_v, acc.at[dst_v.at[t]], add=True)
            return carry2

        lax.fori_loop(0, 16, body, 0)
        return carry

    lax.fori_loop(0, ROWS_W // 16, outer, 0)
    plsc.subcore_barrier()
    pltpu.sync_copy(
        acc.at[pl.ds(s * STRIPE, STRIPE)],
        out.at[pl.ds(c * NACC + s * STRIPE, STRIPE)],
    )




def _sc_scatter_body(
    m, srcb, dstb, zeros, out, src_v, dst_v, rows0, rows1, acc, sem0, sem1, sems0, sems1
):
    c = lax.axis_index("c")
    s = lax.axis_index("s")
    w = s * NC + c
    base = w * ROWS_W
    pltpu.sync_copy(
        zeros.at[pl.ds(s * STRIPE, STRIPE)], acc.at[pl.ds(s * STRIPE, STRIPE)]
    )
    plsc.subcore_barrier()

    def outer(g, carry):
        pltpu.sync_copy(srcb.at[pl.ds(base + g * SG, SG)], src_v)
        pltpu.sync_copy(dstb.at[pl.ds(base + g * SG, SG)], dst_v)
        pltpu.async_copy(m.at[src_v.at[0]], rows0, sem0)

        def inner(i, carry2):
            t0 = 2 * i
            t1 = t0 + 1
            pltpu.async_copy(m.at[src_v.at[t1]], rows1, sem1)
            pltpu.make_async_copy(m.at[src_v.at[t0]], rows0, sem0).wait()
            pltpu.sync_copy(rows0, acc.at[dst_v.at[t0]], add=True)

            @pl.when(i < SG // 2 - 1)
            def _():
                pltpu.async_copy(m.at[src_v.at[t1 + 1]], rows0, sem0)

            pltpu.make_async_copy(m.at[src_v.at[t1]], rows1, sem1).wait()
            pltpu.sync_copy(rows1, acc.at[dst_v.at[t1]], add=True)
            return carry2

        lax.fori_loop(0, SG // 2, inner, 0)
        return carry

    lax.fori_loop(0, ROWS_W // SG, outer, 0)
    plsc.subcore_barrier()
    pltpu.sync_copy(
        acc.at[pl.ds(s * STRIPE, STRIPE)],
        out.at[pl.ds(c * NACC + s * STRIPE, STRIPE)],
    )


@functools.lru_cache(maxsize=1)
def _sc_kernels():
    mesh = plsc.VectorSubcoreMesh(
        core_axis_name="c", subcore_axis_name="s", num_cores=NC, num_subcores=NS
    )
    degree = pl.kernel(
        _sc_degree_body,
        out_type=jax.ShapeDtypeStruct((NC * NACC, D), jnp.float32),
        mesh=mesh,
        scratch_types=[
            pltpu.VMEM((16, CH), jnp.int32),
            pltpu.VMEM((CH, D), jnp.float32),
            pltpu.VMEM_SHARED((NACC, D), jnp.float32),
        ],
    )
    scatter = pl.kernel(
        _sc_scatter_body,
        out_type=jax.ShapeDtypeStruct((NC * NACC, D), jnp.float32),
        mesh=mesh,
        scratch_types=[
            pltpu.VMEM((SG, CH), jnp.int32),
            pltpu.VMEM((SG, CH), jnp.int32),
            pltpu.VMEM((CH, D), jnp.float32),
            pltpu.VMEM((CH, D), jnp.float32),
            pltpu.VMEM_SHARED((NACC, D), jnp.float32),
            pltpu.SemaphoreType.DMA,
            pltpu.SemaphoreType.DMA,
            pltpu.SemaphoreType.DMA,
            pltpu.SemaphoreType.DMA,
        ],
    )
    return degree, scatter



_GRID = NACC // 128


def _dis_block(degp_ref):
    return lax.rsqrt(degp_ref[0] + degp_ref[1] + 1.0)


def _tc_a_body(x_ref, w_ref, degp_ref, h_ref, m_ref):
    dis = _dis_block(degp_ref)
    h = lax.dot_general(
        x_ref[...], w_ref[...], (((1,), (1,)), ((), ())),
        preferred_element_type=jnp.float32,
    )
    h_ref[...] = h
    m_ref[...] = h * dis


def _tc_a(x_pad, W1, degp):
    return pl.pallas_call(
        _tc_a_body,
        grid=(_GRID,),
        in_specs=[
            pl.BlockSpec((128, D), lambda i: (i, 0)),
            pl.BlockSpec((D, D), lambda i: (0, 0)),
            pl.BlockSpec((NC, 128, D), lambda i: (0, i, 0)),
        ],
        out_specs=[
            pl.BlockSpec((128, D), lambda i: (i, 0)),
            pl.BlockSpec((128, D), lambda i: (i, 0)),
        ],
        out_shape=[
            jax.ShapeDtypeStruct((NACC, D), jnp.float32),
            jax.ShapeDtypeStruct((NACC, D), jnp.float32),
        ],
    )(x_pad, W1, degp)


def _tc_b_body(acc_ref, h1_ref, degp_ref, b1_ref, w_ref, h2_ref, m2_ref):
    i = pl.program_id(0)
    dis = _dis_block(degp_ref)
    a = acc_ref[0] + acc_ref[1]
    z = jnp.maximum(dis * a + dis * dis * h1_ref[...] + b1_ref[...], 0.0)
    rid = lax.broadcasted_iota(jnp.int32, (128, 1), 0) + i * 128
    z = jnp.where(rid < N, z, 0.0)
    h2 = lax.dot_general(
        z, w_ref[...], (((1,), (1,)), ((), ())),
        preferred_element_type=jnp.float32,
    )
    h2_ref[...] = h2
    m2_ref[...] = h2 * dis


def _tc_b(acc1, h1, degp, b1, W2):
    return pl.pallas_call(
        _tc_b_body,
        grid=(_GRID,),
        in_specs=[
            pl.BlockSpec((NC, 128, D), lambda i: (0, i, 0)),
            pl.BlockSpec((128, D), lambda i: (i, 0)),
            pl.BlockSpec((NC, 128, D), lambda i: (0, i, 0)),
            pl.BlockSpec((1, D), lambda i: (0, 0)),
            pl.BlockSpec((D, D), lambda i: (0, 0)),
        ],
        out_specs=[
            pl.BlockSpec((128, D), lambda i: (i, 0)),
            pl.BlockSpec((128, D), lambda i: (i, 0)),
        ],
        out_shape=[
            jax.ShapeDtypeStruct((NACC, D), jnp.float32),
            jax.ShapeDtypeStruct((NACC, D), jnp.float32),
        ],
    )(acc1, h1, degp, b1, W2)


def _tc_c_body(acc_ref, h2_ref, degp_ref, b2_ref, out_ref):
    dis = _dis_block(degp_ref)
    a = acc_ref[0] + acc_ref[1]
    out_ref[...] = dis * a + dis * dis * h2_ref[...] + b2_ref[...]


def _tc_c(acc2, h2, degp, b2):
    return pl.pallas_call(
        _tc_c_body,
        grid=(_GRID,),
        in_specs=[
            pl.BlockSpec((NC, 128, D), lambda i: (0, i, 0)),
            pl.BlockSpec((128, D), lambda i: (i, 0)),
            pl.BlockSpec((NC, 128, D), lambda i: (0, i, 0)),
            pl.BlockSpec((1, D), lambda i: (0, 0)),
        ],
        out_specs=pl.BlockSpec((128, D), lambda i: (i, 0)),
        out_shape=jax.ShapeDtypeStruct((NACC, D), jnp.float32),
    )(acc2, h2, degp, b2)




def kernel(x, edge_index, W1, b1, W2, b2):
    src = edge_index[0].astype(jnp.int32)
    dst = edge_index[1].astype(jnp.int32)

    npad = EPAD - E
    pad_idx = (N + jnp.arange(npad, dtype=jnp.int32) % (NACC - N)).astype(jnp.int32)
    srcb = jnp.concatenate([src, pad_idx]).reshape(EPAD // CH, CH)
    dstb = jnp.concatenate([dst, pad_idx]).reshape(EPAD // CH, CH)

    x_pad = jnp.concatenate(
        [x, jnp.zeros((NACC - N, D), jnp.float32)], axis=0
    )
    zeros = jnp.zeros((NACC, D), jnp.float32)
    b1r = b1.reshape(1, D)
    b2r = b2.reshape(1, D)

    sc_degree, sc_scatter = _sc_kernels()
    degp = sc_degree(dstb, zeros).reshape(NC, NACC, D)
    h1, m1 = _tc_a(x_pad, W1, degp)
    acc1 = sc_scatter(m1, srcb, dstb, zeros).reshape(NC, NACC, D)
    h2, m2 = _tc_b(acc1, h1, degp, b1r, W2)
    acc2 = sc_scatter(m2, srcb, dstb, zeros).reshape(NC, NACC, D)
    out = _tc_c(acc2, h2, degp, b2r)
    return out[:N]

# --- scband reference (transcript-rebuilt; emitter-appended) ---
"""Pipeline reference for scband-link-level-gnn-429496730105 (READ-ONLY COPY).

The authoritative reference and input builder live on the scoring server;
editing this copy changes nothing except your own understanding.
"""

import jax, jax.numpy as jnp
import numpy as np

N = 10000
E = 320000
IN_CH = 128
HID = 128


def setup_inputs(seed: int = 0) -> dict:
    key = jax.random.key(seed)
    k1, k2, k3, k4 = jax.random.split(key, 4)
    x = jax.random.normal(k1, (N, IN_CH), dtype=jnp.float32)
    edge_index = jax.random.randint(k2, (2, E), 0, N, dtype=jnp.int32)
    # GCNConv layer 0: in_channels -> hidden_channels
    W1 = jax.random.normal(k3, (HID, IN_CH), dtype=jnp.float32) * (1.0 / np.sqrt(IN_CH))
    b1 = jnp.zeros((HID,), dtype=jnp.float32)
    # GCNConv layer 1: hidden_channels -> hidden_channels
    W2 = jax.random.normal(k4, (HID, HID), dtype=jnp.float32) * (1.0 / np.sqrt(HID))
    b2 = jnp.zeros((HID,), dtype=jnp.float32)
    return {"x": x, "edge_index": edge_index, "W1": W1, "b1": b1, "W2": W2, "b2": b2}


def _gcn_conv(x, src, dst, W, b, n):
    # PyG GCNConv: add self loops, symmetric normalization, message from src -> dst
    loop = jnp.arange(n, dtype=src.dtype)
    s = jnp.concatenate([src, loop])
    d = jnp.concatenate([dst, loop])
    h = x @ W.T
    deg = jax.ops.segment_sum(jnp.ones(d.shape[0], dtype=h.dtype), d, num_segments=n)
    dis = jnp.where(deg > 0, jax.lax.rsqrt(jnp.maximum(deg, 1e-12)), 0.0)
    norm = dis[s] * dis[d]
    out = jax.ops.segment_sum(h[s] * norm[:, None], d, num_segments=n)
    return out + b


def reference(x, edge_index, W1, b1, W2, b2):
    src = edge_index[0]
    dst = edge_index[1]
    n = x.shape[0]
    h = _gcn_conv(x, src, dst, W1, b1, n)
    h = jax.nn.relu(h)
    # dropout is identity in eval mode
    h = _gcn_conv(h, src, dst, W2, b2, n)
    return h

if __name__ == "__main__":
    import jax
    _d = setup_inputs()
    print(jax.jit(kernel)(*tuple(_d.values())))

</pallas_src>

<mosaic_0001>
#map = affine_map<(d0, d1) -> (0, 0)>
module attributes {stable_mosaic.version = 14 : i64} {
  func.func @_sc_scatter_body(%arg0: i32, %arg1: i32, %arg2: memref<10112x128xf32, #tpu.memory_space<hbm>>, %arg3: memref<2560x128xi32, #tpu.memory_space<hbm>>, %arg4: memref<2560x128xi32, #tpu.memory_space<hbm>>, %arg5: memref<10112x128xf32, #tpu.memory_space<hbm>>, %arg6: memref<20224x128xf32, #tpu.memory_space<hbm>>, %arg7: memref<40x128xi32, #tpu.memory_space<vmem>>, %arg8: memref<40x128xi32, #tpu.memory_space<vmem>>, %arg9: memref<128x128xf32, #tpu.memory_space<vmem>>, %arg10: memref<128x128xf32, #tpu.memory_space<vmem>>, %arg11: memref<10112x128xf32, #tpu.memory_space<vmem_shared>>, %arg12: memref<!tpu.dma_semaphore, #tpu.memory_space<semaphore_mem>>, %arg13: memref<!tpu.dma_semaphore, #tpu.memory_space<semaphore_mem>>, %arg14: memref<!tpu.dma_semaphore, #tpu.memory_space<semaphore_mem>>, %arg15: memref<!tpu.dma_semaphore, #tpu.memory_space<semaphore_mem>>) attributes {dimension_semantics = [#tpu.dimension_semantics<core_parallel>, #tpu.dimension_semantics<subcore_parallel>], iteration_bounds = array<i64: 2, 16>, scalar_prefetch = 0 : i64, scratch_operands = 9 : i64, tpu.core_type = #tpu.core_type<sc_vector_subcore>, window_params = [{transform_indices = #map}, {transform_indices = #map}, {transform_indices = #map}, {transform_indices = #map}, {transform_indices = #map}]} {
    %mul3A = arith.constant 2 : i32
    %mul3A_0 = arith.muli %arg1, %mul3A : i32
    %add3A = arith.addi %mul3A_0, %arg0 : i32
    %mul3A_1 = arith.constant 80 : i32
    %mul3A_2 = arith.muli %add3A, %mul3A_1 : i32
    %mul3A_3 = arith.constant 632 : i32
    %mul3A_4 = arith.muli %arg1, %mul3A_3 : i32
    %mul3A_5 = arith.constant 632 : i32
    %mul3A_6 = arith.muli %arg1, %mul3A_5 : i32
    "tpu.region"() ({
      %run_scoped3A = tpu.sem_alloc : memref<!tpu.dma_semaphore, #tpu.memory_space<semaphore_mem>>
      %dma_start3A = arith.constant 0 : i32
      %dma_start3A_20 = tpu.memref_slice %arg11[%mul3A_6, %dma_start3A] : memref<10112x128xf32, #tpu.memory_space<vmem_shared>> -> memref<632x128xf32, #tpu.memory_space<vmem_shared>>
      %dma_start3A_21 = arith.constant 0 : i32
      %dma_start3A_22 = tpu.memref_slice %arg5[%mul3A_4, %dma_start3A_21] : memref<10112x128xf32, #tpu.memory_space<hbm>> -> memref<632x128xf32, #tpu.memory_space<hbm>>
      tpu.enqueue_dma source(%dma_start3A_22 : memref<632x128xf32, #tpu.memory_space<hbm>>) target(%dma_start3A_20 : memref<632x128xf32, #tpu.memory_space<vmem_shared>>) target_semaphore(%run_scoped3A : memref<!tpu.dma_semaphore, #tpu.memory_space<semaphore_mem>>)
      %dma_wait3A = arith.constant 0 : i32
      %dma_wait3A_23 = tpu.memref_slice %arg11[%mul3A_6, %dma_wait3A] : memref<10112x128xf32, #tpu.memory_space<vmem_shared>> -> memref<632x128xf32, #tpu.memory_space<vmem_shared>>
      %dma_wait3A_24 = arith.constant 0 : i32
      %dma_wait3A_25 = tpu.memref_slice %arg5[%mul3A_4, %dma_wait3A_24] : memref<10112x128xf32, #tpu.memory_space<hbm>> -> memref<632x128xf32, #tpu.memory_space<hbm>>
      tpu.wait_dma2 semaphore(%run_scoped3A : memref<!tpu.dma_semaphore, #tpu.memory_space<semaphore_mem>>) src(%dma_wait3A_25 : memref<632x128xf32, #tpu.memory_space<hbm>>) dst(%dma_wait3A_23 : memref<632x128xf32, #tpu.memory_space<vmem_shared>>)
      tpu.yield
    }) : () -> ()
    %barrier3A = arith.constant 0 : index
    tpu.barrier barrier_id(%barrier3A)
    %scan3A = arith.constant 0 : i32
    %scan3A_7 = arith.constant 0 : i32
    %scan3A_8 = arith.constant 2 : i32
    %scan3A_9 = arith.addi %scan3A_7, %scan3A_8 : i32
    %scan3A_10 = arith.constant 1 : i32
    scf.for %scan3A_20 = %scan3A_7 to %scan3A_9 step %scan3A_10  : i32 {
      %mul3A_21 = arith.constant 40 : i32
      %mul3A_22 = arith.muli %scan3A_20, %mul3A_21 : i32
      %add3A_23 = arith.addi %mul3A_2, %mul3A_22 : i32
      "tpu.region"() ({
        %run_scoped3A = tpu.sem_alloc : memref<!tpu.dma_semaphore, #tpu.memory_space<semaphore_mem>>
        %dma_start3A_39 = arith.constant 0 : i32
        %dma_start3A_40 = tpu.memref_slice %arg3[%add3A_23, %dma_start3A_39] : memref<2560x128xi32, #tpu.memory_space<hbm>> -> memref<40x128xi32, #tpu.memory_space<hbm>>
        %dma_start3A_41 = arith.constant 0 : i32
        %dma_start3A_42 = tpu.memref_slice %arg3[%add3A_23, %dma_start3A_41] : memref<2560x128xi32, #tpu.memory_space<hbm>> -> memref<40x128xi32, #tpu.memory_space<hbm>>
        tpu.enqueue_dma source(%dma_start3A_42 : memref<40x128xi32, #tpu.memory_space<hbm>>) target(%arg7 : memref<40x128xi32, #tpu.memory_space<vmem>>) target_semaphore(%run_scoped3A : memref<!tpu.dma_semaphore, #tpu.memory_space<semaphore_mem>>)
        %dma_wait3A = arith.constant 0 : i32
        %dma_wait3A_43 = tpu.memref_slice %arg3[%add3A_23, %dma_wait3A] : memref<2560x128xi32, #tpu.memory_space<hbm>> -> memref<40x128xi32, #tpu.memory_space<hbm>>
        %dma_wait3A_44 = arith.constant 0 : i32
        %dma_wait3A_45 = tpu.memref_slice %arg3[%add3A_23, %dma_wait3A_44] : memref<2560x128xi32, #tpu.memory_space<hbm>> -> memref<40x128xi32, #tpu.memory_space<hbm>>
        tpu.wait_dma2 semaphore(%run_scoped3A : memref<!tpu.dma_semaphore, #tpu.memory_space<semaphore_mem>>) src(%dma_wait3A_45 : memref<40x128xi32, #tpu.memory_space<hbm>>) dst(%arg7 : memref<40x128xi32, #tpu.memory_space<vmem>>)
        tpu.yield
      }) : () -> ()
      %mul3A_24 = arith.constant 40 : i32
      %mul3A_25 = arith.muli %scan3A_20, %mul3A_24 : i32
      %add3A_26 = arith.addi %mul3A_2, %mul3A_25 : i32
      "tpu.region"() ({
        %run_scoped3A = tpu.sem_alloc : memref<!tpu.dma_semaphore, #tpu.memory_space<semaphore_mem>>
        %dma_start3A_39 = arith.constant 0 : i32
        %dma_start3A_40 = tpu.memref_slice %arg4[%add3A_26, %dma_start3A_39] : memref<2560x128xi32, #tpu.memory_space<hbm>> -> memref<40x128xi32, #tpu.memory_space<hbm>>
        %dma_start3A_41 = arith.constant 0 : i32
        %dma_start3A_42 = tpu.memref_slice %arg4[%add3A_26, %dma_start3A_41] : memref<2560x128xi32, #tpu.memory_space<hbm>> -> memref<40x128xi32, #tpu.memory_space<hbm>>
        tpu.enqueue_dma source(%dma_start3A_42 : memref<40x128xi32, #tpu.memory_space<hbm>>) target(%arg8 : memref<40x128xi32, #tpu.memory_space<vmem>>) target_semaphore(%run_scoped3A : memref<!tpu.dma_semaphore, #tpu.memory_space<semaphore_mem>>)
        %dma_wait3A = arith.constant 0 : i32
        %dma_wait3A_43 = tpu.memref_slice %arg4[%add3A_26, %dma_wait3A] : memref<2560x128xi32, #tpu.memory_space<hbm>> -> memref<40x128xi32, #tpu.memory_space<hbm>>
        %dma_wait3A_44 = arith.constant 0 : i32
        %dma_wait3A_45 = tpu.memref_slice %arg4[%add3A_26, %dma_wait3A_44] : memref<2560x128xi32, #tpu.memory_space<hbm>> -> memref<40x128xi32, #tpu.memory_space<hbm>>
        tpu.wait_dma2 semaphore(%run_scoped3A : memref<!tpu.dma_semaphore, #tpu.memory_space<semaphore_mem>>) src(%dma_wait3A_45 : memref<40x128xi32, #tpu.memory_space<hbm>>) dst(%arg8 : memref<40x128xi32, #tpu.memory_space<vmem>>)
        tpu.yield
      }) : () -> ()
      %dma_start3A = arith.constant 0 : i32
      %dma_start3A_27 = arith.constant 0 : i32
      %dma_start3A_28 = tpu.memref_slice %arg7[%dma_start3A, %dma_start3A_27] : memref<40x128xi32, #tpu.memory_space<vmem>> -> memref<1x128xi32, #tpu.memory_space<vmem>>
      %dma_start3A_29 = tpu.memref_squeeze %dma_start3A_28 : memref<1x128xi32, #tpu.memory_space<vmem>> -> memref<128xi32, #tpu.memory_space<vmem>>
      %dma_start3A_30 = arith.constant 0 : i32
      %dma_start3A_31 = arith.constant 0 : i32
      %dma_start3A_32 = tpu.memref_slice %arg2[%dma_start3A_30, %dma_start3A_31] : memref<10112x128xf32, #tpu.memory_space<hbm>> -> memref<10112x128xf32, #tpu.memory_space<hbm>>
      tpu.enqueue_indirect_dma source(%dma_start3A_32 : memref<10112x128xf32, #tpu.memory_space<hbm>>) target(%arg9 : memref<128x128xf32, #tpu.memory_space<vmem>>) offsets(%dma_start3A_29 : memref<128xi32, #tpu.memory_space<vmem>>) semaphore(%arg12 : memref<!tpu.dma_semaphore, #tpu.memory_space<semaphore_mem>>)
      %scan3A_33 = arith.constant 0 : i32
      %scan3A_34 = arith.constant 0 : i32
      %scan3A_35 = arith.constant 20 : i32
      %scan3A_36 = arith.addi %scan3A_34, %scan3A_35 : i32
      %scan3A_37 = arith.constant 1 : i32
      scf.for %scan3A_39 = %scan3A_34 to %scan3A_36 step %scan3A_37  : i32 {
        %mul3A_40 = arith.constant 2 : i32
        %mul3A_41 = arith.muli %mul3A_40, %scan3A_39 : i32
        %add3A_42 = arith.constant 1 : i32
        %add3A_43 = arith.addi %mul3A_41, %add3A_42 : i32
        %dma_start3A_44 = arith.constant 0 : i32
        %dma_start3A_45 = tpu.memref_slice %arg7[%add3A_43, %dma_start3A_44] : memref<40x128xi32, #tpu.memory_space<vmem>> -> memref<1x128xi32, #tpu.memory_space<vmem>>
        %dma_start3A_46 = tpu.memref_squeeze %dma_start3A_45 : memref<1x128xi32, #tpu.memory_space<vmem>> -> memref<128xi32, #tpu.memory_space<vmem>>
        %dma_start3A_47 = arith.constant 0 : i32
        %dma_start3A_48 = arith.constant 0 : i32
        %dma_start3A_49 = tpu.memref_slice %arg2[%dma_start3A_47, %dma_start3A_48] : memref<10112x128xf32, #tpu.memory_space<hbm>> -> memref<10112x128xf32, #tpu.memory_space<hbm>>
        tpu.enqueue_indirect_dma source(%dma_start3A_49 : memref<10112x128xf32, #tpu.memory_space<hbm>>) target(%arg10 : memref<128x128xf32, #tpu.memory_space<vmem>>) offsets(%dma_start3A_46 : memref<128xi32, #tpu.memory_space<vmem>>) semaphore(%arg13 : memref<!tpu.dma_semaphore, #tpu.memory_space<semaphore_mem>>)
        %dma_wait3A = arith.constant 0 : i32
        %dma_wait3A_50 = tpu.memref_slice %arg7[%mul3A_41, %dma_wait3A] : memref<40x128xi32, #tpu.memory_space<vmem>> -> memref<1x128xi32, #tpu.memory_space<vmem>>
        %dma_wait3A_51 = tpu.memref_squeeze %dma_wait3A_50 : memref<1x128xi32, #tpu.memory_space<vmem>> -> memref<128xi32, #tpu.memory_space<vmem>>
        %dma_wait3A_52 = arith.constant 0 : i32
        %dma_wait3A_53 = arith.constant 0 : i32
        %dma_wait3A_54 = tpu.memref_slice %arg2[%dma_wait3A_52, %dma_wait3A_53] : memref<10112x128xf32, #tpu.memory_space<hbm>> -> memref<10112x128xf32, #tpu.memory_space<hbm>>
        tpu.wait_indirect_dma semaphore(%arg12 : memref<!tpu.dma_semaphore, #tpu.memory_space<semaphore_mem>>) src(%dma_wait3A_54 : memref<10112x128xf32, #tpu.memory_space<hbm>>) dst(%arg9 : memref<128x128xf32, #tpu.memory_space<vmem>>)
        "tpu.region"() ({
          %run_scoped3A = tpu.sem_alloc : memref<!tpu.dma_semaphore, #tpu.memory_space<semaphore_mem>>
          %dma_start3A_63 = arith.constant 0 : i32
          %dma_start3A_64 = tpu.memref_slice %arg8[%mul3A_41, %dma_start3A_63] : memref<40x128xi32, #tpu.memory_space<vmem>> -> memref<1x128xi32, #tpu.memory_space<vmem>>
          %dma_start3A_65 = tpu.memref_squeeze %dma_start3A_64 : memref<1x128xi32, #tpu.memory_space<vmem>> -> memref<128xi32, #tpu.memory_space<vmem>>
          %dma_start3A_66 = arith.constant 0 : i32
          %dma_start3A_67 = arith.constant 0 : i32
          %dma_start3A_68 = tpu.memref_slice %arg11[%dma_start3A_66, %dma_start3A_67] : memref<10112x128xf32, #tpu.memory_space<vmem_shared>> -> memref<10112x128xf32, #tpu.memory_space<vmem_shared>>
          tpu.enqueue_indirect_dma source(%arg9 : memref<128x128xf32, #tpu.memory_space<vmem>>) target(%dma_start3A_68 : memref<10112x128xf32, #tpu.memory_space<vmem_shared>>) offsets(%dma_start3A_65 : memref<128xi32, #tpu.memory_space<vmem>>) semaphore(%run_scoped3A : memref<!tpu.dma_semaphore, #tpu.memory_space<semaphore_mem>>) {add = true}
          %dma_wait3A_69 = arith.constant 0 : i32
          %dma_wait3A_70 = tpu.memref_slice %arg8[%mul3A_41, %dma_wait3A_69] : memref<40x128xi32, #tpu.memory_space<vmem>> -> memref<1x128xi32, #tpu.memory_space<vmem>>
          %dma_wait3A_71 = tpu.memref_squeeze %dma_wait3A_70 : memref<1x128xi32, #tpu.memory_space<vmem>> -> memref<128xi32, #tpu.memory_space<vmem>>
          %dma_wait3A_72 = arith.constant 0 : i32
          %dma_wait3A_73 = arith.constant 0 : i32
          %dma_wait3A_74 = tpu.memref_slice %arg11[%dma_wait3A_72, %dma_wait3A_73] : memref<10112x128xf32, #tpu.memory_space<vmem_shared>> -> memref<10112x128xf32, #tpu.memory_space<vmem_shared>>
          tpu.wait_indirect_dma semaphore(%run_scoped3A : memref<!tpu.dma_semaphore, #tpu.memory_space<semaphore_mem>>) src(%arg9 : memref<128x128xf32, #tpu.memory_space<vmem>>) dst(%dma_wait3A_74 : memref<10112x128xf32, #tpu.memory_space<vmem_shared>>)
          tpu.yield
        }) : () -> ()
        %lt3A = arith.constant 19 : i32
        %lt3A_55 = arith.cmpi slt, %scan3A_39, %lt3A : i32
        %convert_element_type3A = arith.extui %lt3A_55 : i1 to i32
        %cond3A = arith.constant 0 : i32
        %cond3A_56 = arith.cmpi ne, %convert_element_type3A, %cond3A : i32
        scf.if %cond3A_56 {
          %add3A_63 = arith.constant 1 : i32
          %add3A_64 = arith.addi %add3A_43, %add3A_63 : i32
          %dma_start3A_65 = arith.constant 0 : i32
          %dma_start3A_66 = tpu.memref_slice %arg7[%add3A_64, %dma_start3A_65] : memref<40x128xi32, #tpu.memory_space<vmem>> -> memref<1x128xi32, #tpu.memory_space<vmem>>
          %dma_start3A_67 = tpu.memref_squeeze %dma_start3A_66 : memref<1x128xi32, #tpu.memory_space<vmem>> -> memref<128xi32, #tpu.memory_space<vmem>>
          %dma_start3A_68 = arith.constant 0 : i32
          %dma_start3A_69 = arith.constant 0 : i32
          %dma_start3A_70 = tpu.memref_slice %arg2[%dma_start3A_68, %dma_start3A_69] : memref<10112x128xf32, #tpu.memory_space<hbm>> -> memref<10112x128xf32, #tpu.memory_space<hbm>>
          tpu.enqueue_indirect_dma source(%dma_start3A_70 : memref<10112x128xf32, #tpu.memory_space<hbm>>) target(%arg9 : memref<128x128xf32, #tpu.memory_space<vmem>>) offsets(%dma_start3A_67 : memref<128xi32, #tpu.memory_space<vmem>>) semaphore(%arg12 : memref<!tpu.dma_semaphore, #tpu.memory_space<semaphore_mem>>)
        } else {
        }
        %dma_wait3A_57 = arith.constant 0 : i32
        %dma_wait3A_58 = tpu.memref_slice %arg7[%add3A_43, %dma_wait3A_57] : memref<40x128xi32, #tpu.memory_space<vmem>> -> memref<1x128xi32, #tpu.memory_space<vmem>>
        %dma_wait3A_59 = tpu.memref_squeeze %dma_wait3A_58 : memref<1x128xi32, #tpu.memory_space<vmem>> -> memref<128xi32, #tpu.memory_space<vmem>>
        %dma_wait3A_60 = arith.constant 0 : i32
        %dma_wait3A_61 = arith.constant 0 : i32
        %dma_wait3A_62 = tpu.memref_slice %arg2[%dma_wait3A_60, %dma_wait3A_61] : memref<10112x128xf32, #tpu.memory_space<hbm>> -> memref<10112x128xf32, #tpu.memory_space<hbm>>
        tpu.wait_indirect_dma semaphore(%arg13 : memref<!tpu.dma_semaphore, #tpu.memory_space<semaphore_mem>>) src(%dma_wait3A_62 : memref<10112x128xf32, #tpu.memory_space<hbm>>) dst(%arg10 : memref<128x128xf32, #tpu.memory_space<vmem>>)
        "tpu.region"() ({
          %run_scoped3A = tpu.sem_alloc : memref<!tpu.dma_semaphore, #tpu.memory_space<semaphore_mem>>
          %dma_start3A_63 = arith.constant 0 : i32
          %dma_start3A_64 = tpu.memref_slice %arg8[%add3A_43, %dma_start3A_63] : memref<40x128xi32, #tpu.memory_space<vmem>> -> memref<1x128xi32, #tpu.memory_space<vmem>>
          %dma_start3A_65 = tpu.memref_squeeze %dma_start3A_64 : memref<1x128xi32, #tpu.memory_space<vmem>> -> memref<128xi32, #tpu.memory_space<vmem>>
          %dma_start3A_66 = arith.constant 0 : i32
          %dma_start3A_67 = arith.constant 0 : i32
          %dma_start3A_68 = tpu.memref_slice %arg11[%dma_start3A_66, %dma_start3A_67] : memref<10112x128xf32, #tpu.memory_space<vmem_shared>> -> memref<10112x128xf32, #tpu.memory_space<vmem_shared>>
          tpu.enqueue_indirect_dma source(%arg10 : memref<128x128xf32, #tpu.memory_space<vmem>>) target(%dma_start3A_68 : memref<10112x128xf32, #tpu.memory_space<vmem_shared>>) offsets(%dma_start3A_65 : memref<128xi32, #tpu.memory_space<vmem>>) semaphore(%run_scoped3A : memref<!tpu.dma_semaphore, #tpu.memory_space<semaphore_mem>>) {add = true}
          %dma_wait3A_69 = arith.constant 0 : i32
          %dma_wait3A_70 = tpu.memref_slice %arg8[%add3A_43, %dma_wait3A_69] : memref<40x128xi32, #tpu.memory_space<vmem>> -> memref<1x128xi32, #tpu.memory_space<vmem>>
          %dma_wait3A_71 = tpu.memref_squeeze %dma_wait3A_70 : memref<1x128xi32, #tpu.memory_space<vmem>> -> memref<128xi32, #tpu.memory_space<vmem>>
          %dma_wait3A_72 = arith.constant 0 : i32
          %dma_wait3A_73 = arith.constant 0 : i32
          %dma_wait3A_74 = tpu.memref_slice %arg11[%dma_wait3A_72, %dma_wait3A_73] : memref<10112x128xf32, #tpu.memory_space<vmem_shared>> -> memref<10112x128xf32, #tpu.memory_space<vmem_shared>>
          tpu.wait_indirect_dma semaphore(%run_scoped3A : memref<!tpu.dma_semaphore, #tpu.memory_space<semaphore_mem>>) src(%arg10 : memref<128x128xf32, #tpu.memory_space<vmem>>) dst(%dma_wait3A_74 : memref<10112x128xf32, #tpu.memory_space<vmem_shared>>)
          tpu.yield
        }) : () -> ()
      }
      %scan3A_38 = arith.constant 20 : i32
    }
    %scan3A_11 = arith.constant 2 : i32
    %barrier3A_12 = arith.constant 0 : index
    tpu.barrier barrier_id(%barrier3A_12)
    %mul3A_13 = arith.constant 632 : i32
    %mul3A_14 = arith.muli %arg1, %mul3A_13 : i32
    %mul3A_15 = arith.constant 10112 : i32
    %mul3A_16 = arith.muli %arg0, %mul3A_15 : i32
    %mul3A_17 = arith.constant 632 : i32
    %mul3A_18 = arith.muli %arg1, %mul3A_17 : i32
    %add3A_19 = arith.addi %mul3A_16, %mul3A_18 : i32
    "tpu.region"() ({
      %run_scoped3A = tpu.sem_alloc : memref<!tpu.dma_semaphore, #tpu.memory_space<semaphore_mem>>
      %dma_start3A = arith.constant 0 : i32
      %dma_start3A_20 = tpu.memref_slice %arg6[%add3A_19, %dma_start3A] : memref<20224x128xf32, #tpu.memory_space<hbm>> -> memref<632x128xf32, #tpu.memory_space<hbm>>
      %dma_start3A_21 = arith.constant 0 : i32
      %dma_start3A_22 = tpu.memref_slice %arg11[%mul3A_14, %dma_start3A_21] : memref<10112x128xf32, #tpu.memory_space<vmem_shared>> -> memref<632x128xf32, #tpu.memory_space<vmem_shared>>
      tpu.enqueue_dma source(%dma_start3A_22 : memref<632x128xf32, #tpu.memory_space<vmem_shared>>) target(%dma_start3A_20 : memref<632x128xf32, #tpu.memory_space<hbm>>) target_semaphore(%run_scoped3A : memref<!tpu.dma_semaphore, #tpu.memory_space<semaphore_mem>>)
      %dma_wait3A = arith.constant 0 : i32
      %dma_wait3A_23 = tpu.memref_slice %arg6[%add3A_19, %dma_wait3A] : memref<20224x128xf32, #tpu.memory_space<hbm>> -> memref<632x128xf32, #tpu.memory_space<hbm>>
      %dma_wait3A_24 = arith.constant 0 : i32
      %dma_wait3A_25 = tpu.memref_slice %arg11[%mul3A_14, %dma_wait3A_24] : memref<10112x128xf32, #tpu.memory_space<vmem_shared>> -> memref<632x128xf32, #tpu.memory_space<vmem_shared>>
      tpu.wait_dma2 semaphore(%run_scoped3A : memref<!tpu.dma_semaphore, #tpu.memory_space<semaphore_mem>>) src(%dma_wait3A_25 : memref<632x128xf32, #tpu.memory_space<vmem_shared>>) dst(%dma_wait3A_23 : memref<632x128xf32, #tpu.memory_space<hbm>>)
      tpu.yield
    }) : () -> ()
    return
  }
}

#map = affine_map<(d0, d1) -> (0, 0)>
module attributes {stable_mosaic.version = 14 : i64} {
  func.func @_sc_degree_body(%arg0: i32, %arg1: i32, %arg2: memref<2560x128xi32, #tpu.memory_space<hbm>>, %arg3: memref<10112x128xf32, #tpu.memory_space<hbm>>, %arg4: memref<20224x128xf32, #tpu.memory_space<hbm>>, %arg5: memref<16x128xi32, #tpu.memory_space<vmem>>, %arg6: memref<128x128xf32, #tpu.memory_space<vmem>>, %arg7: memref<10112x128xf32, #tpu.memory_space<vmem_shared>>) attributes {dimension_semantics = [#tpu.dimension_semantics<core_parallel>, #tpu.dimension_semantics<subcore_parallel>], iteration_bounds = array<i64: 2, 16>, scalar_prefetch = 0 : i64, scratch_operands = 3 : i64, tpu.core_type = #tpu.core_type<sc_vector_subcore>, window_params = [{transform_indices = #map}, {transform_indices = #map}, {transform_indices = #map}]} {
    %mul3A = arith.constant 2 : i32
    %mul3A_0 = arith.muli %arg1, %mul3A : i32
    %add3A = arith.addi %mul3A_0, %arg0 : i32
    %mul3A_1 = arith.constant 632 : i32
    %mul3A_2 = arith.muli %arg1, %mul3A_1 : i32
    %mul3A_3 = arith.constant 632 : i32
    %mul3A_4 = arith.muli %arg1, %mul3A_3 : i32
    "tpu.region"() ({
      %run_scoped3A = tpu.sem_alloc : memref<!tpu.dma_semaphore, #tpu.memory_space<semaphore_mem>>
      %dma_start3A = arith.constant 0 : i32
      %dma_start3A_25 = tpu.memref_slice %arg7[%mul3A_4, %dma_start3A] : memref<10112x128xf32, #tpu.memory_space<vmem_shared>> -> memref<632x128xf32, #tpu.memory_space<vmem_shared>>
      %dma_start3A_26 = arith.constant 0 : i32
      %dma_start3A_27 = tpu.memref_slice %arg3[%mul3A_2, %dma_start3A_26] : memref<10112x128xf32, #tpu.memory_space<hbm>> -> memref<632x128xf32, #tpu.memory_space<hbm>>
      tpu.enqueue_dma source(%dma_start3A_27 : memref<632x128xf32, #tpu.memory_space<hbm>>) target(%dma_start3A_25 : memref<632x128xf32, #tpu.memory_space<vmem_shared>>) target_semaphore(%run_scoped3A : memref<!tpu.dma_semaphore, #tpu.memory_space<semaphore_mem>>)
      %dma_wait3A = arith.constant 0 : i32
      %dma_wait3A_28 = tpu.memref_slice %arg7[%mul3A_4, %dma_wait3A] : memref<10112x128xf32, #tpu.memory_space<vmem_shared>> -> memref<632x128xf32, #tpu.memory_space<vmem_shared>>
      %dma_wait3A_29 = arith.constant 0 : i32
      %dma_wait3A_30 = tpu.memref_slice %arg3[%mul3A_2, %dma_wait3A_29] : memref<10112x128xf32, #tpu.memory_space<hbm>> -> memref<632x128xf32, #tpu.memory_space<hbm>>
      tpu.wait_dma2 semaphore(%run_scoped3A : memref<!tpu.dma_semaphore, #tpu.memory_space<semaphore_mem>>) src(%dma_wait3A_30 : memref<632x128xf32, #tpu.memory_space<hbm>>) dst(%dma_wait3A_28 : memref<632x128xf32, #tpu.memory_space<vmem_shared>>)
      tpu.yield
    }) : () -> ()
    %broadcast_in_dim3A = arith.constant 1.000000e+00 : f32
    %broadcast_in_dim3A_5 = vector.broadcast %broadcast_in_dim3A : f32 to vector<16xf32>
    %scan3A = arith.constant 0 : i32
    %scan3A_6 = arith.constant 0 : i32
    %scan3A_7 = arith.constant 128 : i32
    %scan3A_8 = arith.addi %scan3A_6, %scan3A_7 : i32
    %scan3A_9 = arith.constant 1 : i32
    scf.for %scan3A_25 = %scan3A_6 to %scan3A_8 step %scan3A_9  : i32 {
      %swap3A = arith.index_cast %scan3A_25 : i32 to index
      %swap3A_26 = arith.constant 0 : index
      %swap3A_27 = tpu.vector_load %arg6[%swap3A, %swap3A_26] {strides = array<i32>} : memref<128x128xf32, #tpu.memory_space<vmem>>, vector<1x16xf32>,
      %swap3A_28 = vector.shape_cast %swap3A_27 : vector<1x16xf32> to vector<16xf32>
      %swap3A_29 = vector.shape_cast %broadcast_in_dim3A_5 : vector<16xf32> to vector<1x16xf32>
      tpu.vector_store %arg6[%swap3A, %swap3A_26], %swap3A_29 {strides = array<i32>} : memref<128x128xf32, #tpu.memory_space<vmem>>, vector<1x16xf32>,
      %swap3A_30 = arith.index_cast %scan3A_25 : i32 to index
      %swap3A_31 = arith.constant 16 : index
      %swap3A_32 = tpu.vector_load %arg6[%swap3A_30, %swap3A_31] {strides = array<i32>} : memref<128x128xf32, #tpu.memory_space<vmem>>, vector<1x16xf32>,
      %swap3A_33 = vector.shape_cast %swap3A_32 : vector<1x16xf32> to vector<16xf32>
      %swap3A_34 = vector.shape_cast %broadcast_in_dim3A_5 : vector<16xf32> to vector<1x16xf32>
      tpu.vector_store %arg6[%swap3A_30, %swap3A_31], %swap3A_34 {strides = array<i32>} : memref<128x128xf32, #tpu.memory_space<vmem>>, vector<1x16xf32>,
      %swap3A_35 = arith.index_cast %scan3A_25 : i32 to index
      %swap3A_36 = arith.constant 32 : index
      %swap3A_37 = tpu.vector_load %arg6[%swap3A_35, %swap3A_36] {strides = array<i32>} : memref<128x128xf32, #tpu.memory_space<vmem>>, vector<1x16xf32>,
      %swap3A_38 = vector.shape_cast %swap3A_37 : vector<1x16xf32> to vector<16xf32>
      %swap3A_39 = vector.shape_cast %broadcast_in_dim3A_5 : vector<16xf32> to vector<1x16xf32>
      tpu.vector_store %arg6[%swap3A_35, %swap3A_36], %swap3A_39 {strides = array<i32>} : memref<128x128xf32, #tpu.memory_space<vmem>>, vector<1x16xf32>,
      %swap3A_40 = arith.index_cast %scan3A_25 : i32 to index
      %swap3A_41 = arith.constant 48 : index
      %swap3A_42 = tpu.vector_load %arg6[%swap3A_40, %swap3A_41] {strides = array<i32>} : memref<128x128xf32, #tpu.memory_space<vmem>>, vector<1x16xf32>,
      %swap3A_43 = vector.shape_cast %swap3A_42 : vector<1x16xf32> to vector<16xf32>
      %swap3A_44 = vector.shape_cast %broadcast_in_dim3A_5 : vector<16xf32> to vector<1x16xf32>
      tpu.vector_store %arg6[%swap3A_40, %swap3A_41], %swap3A_44 {strides = array<i32>} : memref<128x128xf32, #tpu.memory_space<vmem>>, vector<1x16xf32>,
      %swap3A_45 = arith.index_cast %scan3A_25 : i32 to index
      %swap3A_46 = arith.constant 64 : index
      %swap3A_47 = tpu.vector_load %arg6[%swap3A_45, %swap3A_46] {strides = array<i32>} : memref<128x128xf32, #tpu.memory_space<vmem>>, vector<1x16xf32>,
      %swap3A_48 = vector.shape_cast %swap3A_47 : vector<1x16xf32> to vector<16xf32>
      %swap3A_49 = vector.shape_cast %broadcast_in_dim3A_5 : vector<16xf32> to vector<1x16xf32>
      tpu.vector_store %arg6[%swap3A_45, %swap3A_46], %swap3A_49 {strides = array<i32>} : memref<128x128xf32, #tpu.memory_space<vmem>>, vector<1x16xf32>,
      %swap3A_50 = arith.index_cast %scan3A_25 : i32 to index
      %swap3A_51 = arith.constant 80 : index
      %swap3A_52 = tpu.vector_load %arg6[%swap3A_50, %swap3A_51] {strides = array<i32>} : memref<128x128xf32, #tpu.memory_space<vmem>>, vector<1x16xf32>,
      %swap3A_53 = vector.shape_cast %swap3A_52 : vector<1x16xf32> to vector<16xf32>
      %swap3A_54 = vector.shape_cast %broadcast_in_dim3A_5 : vector<16xf32> to vector<1x16xf32>
      tpu.vector_store %arg6[%swap3A_50, %swap3A_51], %swap3A_54 {strides = array<i32>} : memref<128x128xf32, #tpu.memory_space<vmem>>, vector<1x16xf32>,
      %swap3A_55 = arith.index_cast %scan3A_25 : i32 to index
      %swap3A_56 = arith.constant 96 : index
      %swap3A_57 = tpu.vector_load %arg6[%swap3A_55, %swap3A_56] {strides = array<i32>} : memref<128x128xf32, #tpu.memory_space<vmem>>, vector<1x16xf32>,
      %swap3A_58 = vector.shape_cast %swap3A_57 : vector<1x16xf32> to vector<16xf32>
      %swap3A_59 = vector.shape_cast %broadcast_in_dim3A_5 : vector<16xf32> to vector<1x16xf32>
      tpu.vector_store %arg6[%swap3A_55, %swap3A_56], %swap3A_59 {strides = array<i32>} : memref<128x128xf32, #tpu.memory_space<vmem>>, vector<1x16xf32>,
      %swap3A_60 = arith.index_cast %scan3A_25 : i32 to index
      %swap3A_61 = arith.constant 112 : index
      %swap3A_62 = tpu.vector_load %arg6[%swap3A_60, %swap3A_61] {strides = array<i32>} : memref<128x128xf32, #tpu.memory_space<vmem>>, vector<1x16xf32>,
      %swap3A_63 = vector.shape_cast %swap3A_62 : vector<1x16xf32> to vector<16xf32>
      %swap3A_64 = vector.shape_cast %broadcast_in_dim3A_5 : vector<16xf32> to vector<1x16xf32>
      tpu.vector_store %arg6[%swap3A_60, %swap3A_61], %swap3A_64 {strides = array<i32>} : memref<128x128xf32, #tpu.memory_space<vmem>>, vector<1x16xf32>,
    }
    %scan3A_10 = arith.constant 128 : i32
    %barrier3A = arith.constant 0 : index
    tpu.barrier barrier_id(%barrier3A)
    %scan3A_11 = arith.constant 0 : i32
    %scan3A_12 = arith.constant 0 : i32
    %scan3A_13 = arith.constant 5 : i32
    %scan3A_14 = arith.addi %scan3A_12, %scan3A_13 : i32
    %scan3A_15 = arith.constant 1 : i32
    scf.for %scan3A_25 = %scan3A_12 to %scan3A_14 step %scan3A_15  : i32 {
      %mul3A_26 = arith.constant 80 : i32
      %mul3A_27 = arith.muli %add3A, %mul3A_26 : i32
      %mul3A_28 = arith.constant 16 : i32
      %mul3A_29 = arith.muli %scan3A_25, %mul3A_28 : i32
      %add3A_30 = arith.addi %mul3A_27, %mul3A_29 : i32
      "tpu.region"() ({
        %run_scoped3A = tpu.sem_alloc : memref<!tpu.dma_semaphore, #tpu.memory_space<semaphore_mem>>
        %dma_start3A = arith.constant 0 : i32
        %dma_start3A_37 = tpu.memref_slice %arg2[%add3A_30, %dma_start3A] : memref<2560x128xi32, #tpu.memory_space<hbm>> -> memref<16x128xi32, #tpu.memory_space<hbm>>
        %dma_start3A_38 = arith.constant 0 : i32
        %dma_start3A_39 = tpu.memref_slice %arg2[%add3A_30, %dma_start3A_38] : memref<2560x128xi32, #tpu.memory_space<hbm>> -> memref<16x128xi32, #tpu.memory_space<hbm>>
        tpu.enqueue_dma source(%dma_start3A_39 : memref<16x128xi32, #tpu.memory_space<hbm>>) target(%arg5 : memref<16x128xi32, #tpu.memory_space<vmem>>) target_semaphore(%run_scoped3A : memref<!tpu.dma_semaphore, #tpu.memory_space<semaphore_mem>>)
        %dma_wait3A = arith.constant 0 : i32
        %dma_wait3A_40 = tpu.memref_slice %arg2[%add3A_30, %dma_wait3A] : memref<2560x128xi32, #tpu.memory_space<hbm>> -> memref<16x128xi32, #tpu.memory_space<hbm>>
        %dma_wait3A_41 = arith.constant 0 : i32
        %dma_wait3A_42 = tpu.memref_slice %arg2[%add3A_30, %dma_wait3A_41] : memref<2560x128xi32, #tpu.memory_space<hbm>> -> memref<16x128xi32, #tpu.memory_space<hbm>>
        tpu.wait_dma2 semaphore(%run_scoped3A : memref<!tpu.dma_semaphore, #tpu.memory_space<semaphore_mem>>) src(%dma_wait3A_42 : memref<16x128xi32, #tpu.memory_space<hbm>>) dst(%arg5 : memref<16x128xi32, #tpu.memory_space<vmem>>)
        tpu.yield
      }) : () -> ()
      %scan3A_31 = arith.constant 0 : i32
      %scan3A_32 = arith.constant 0 : i32
      %scan3A_33 = arith.constant 16 : i32
      %scan3A_34 = arith.addi %scan3A_32, %scan3A_33 : i32
      %scan3A_35 = arith.constant 1 : i32
      scf.for %scan3A_37 = %scan3A_32 to %scan3A_34 step %scan3A_35  : i32 {
        "tpu.region"() ({
          %run_scoped3A = tpu.sem_alloc : memref<!tpu.dma_semaphore, #tpu.memory_space<semaphore_mem>>
          %dma_start3A = arith.constant 0 : i32
          %dma_start3A_38 = tpu.memref_slice %arg5[%scan3A_37, %dma_start3A] : memref<16x128xi32, #tpu.memory_space<vmem>> -> memref<1x128xi32, #tpu.memory_space<vmem>>
          %dma_start3A_39 = tpu.memref_squeeze %dma_start3A_38 : memref<1x128xi32, #tpu.memory_space<vmem>> -> memref<128xi32, #tpu.memory_space<vmem>>
          %dma_start3A_40 = arith.constant 0 : i32
          %dma_start3A_41 = arith.constant 0 : i32
          %dma_start3A_42 = tpu.memref_slice %arg7[%dma_start3A_40, %dma_start3A_41] : memref<10112x128xf32, #tpu.memory_space<vmem_shared>> -> memref<10112x128xf32, #tpu.memory_space<vmem_shared>>
          tpu.enqueue_indirect_dma source(%arg6 : memref<128x128xf32, #tpu.memory_space<vmem>>) target(%dma_start3A_42 : memref<10112x128xf32, #tpu.memory_space<vmem_shared>>) offsets(%dma_start3A_39 : memref<128xi32, #tpu.memory_space<vmem>>) semaphore(%run_scoped3A : memref<!tpu.dma_semaphore, #tpu.memory_space<semaphore_mem>>) {add = true}
          %dma_wait3A = arith.constant 0 : i32
          %dma_wait3A_43 = tpu.memref_slice %arg5[%scan3A_37, %dma_wait3A] : memref<16x128xi32, #tpu.memory_space<vmem>> -> memref<1x128xi32, #tpu.memory_space<vmem>>
          %dma_wait3A_44 = tpu.memref_squeeze %dma_wait3A_43 : memref<1x128xi32, #tpu.memory_space<vmem>> -> memref<128xi32, #tpu.memory_space<vmem>>
          %dma_wait3A_45 = arith.constant 0 : i32
          %dma_wait3A_46 = arith.constant 0 : i32
          %dma_wait3A_47 = tpu.memref_slice %arg7[%dma_wait3A_45, %dma_wait3A_46] : memref<10112x128xf32, #tpu.memory_space<vmem_shared>> -> memref<10112x128xf32, #tpu.memory_space<vmem_shared>>
          tpu.wait_indirect_dma semaphore(%run_scoped3A : memref<!tpu.dma_semaphore, #tpu.memory_space<semaphore_mem>>) src(%arg6 : memref<128x128xf32, #tpu.memory_space<vmem>>) dst(%dma_wait3A_47 : memref<10112x128xf32, #tpu.memory_space<vmem_shared>>)
          tpu.yield
        }) : () -> ()
      }
      %scan3A_36 = arith.constant 16 : i32
    }
    %scan3A_16 = arith.constant 5 : i32
    %barrier3A_17 = arith.constant 0 : index
    tpu.barrier barrier_id(%barrier3A_17)
    %mul3A_18 = arith.constant 632 : i32
    %mul3A_19 = arith.muli %arg1, %mul3A_18 : i32
    %mul3A_20 = arith.constant 10112 : i32
    %mul3A_21 = arith.muli %arg0, %mul3A_20 : i32
    %mul3A_22 = arith.constant 632 : i32
    %mul3A_23 = arith.muli %arg1, %mul3A_22 : i32
    %add3A_24 = arith.addi %mul3A_21, %mul3A_23 : i32
    "tpu.region"() ({
      %run_scoped3A = tpu.sem_alloc : memref<!tpu.dma_semaphore, #tpu.memory_space<semaphore_mem>>
      %dma_start3A = arith.constant 0 : i32
      %dma_start3A_25 = tpu.memref_slice %arg4[%add3A_24, %dma_start3A] : memref<20224x128xf32, #tpu.memory_space<hbm>> -> memref<632x128xf32, #tpu.memory_space<hbm>>
      %dma_start3A_26 = arith.constant 0 : i32
      %dma_start3A_27 = tpu.memref_slice %arg7[%mul3A_19, %dma_start3A_26] : memref<10112x128xf32, #tpu.memory_space<vmem_shared>> -> memref<632x128xf32, #tpu.memory_space<vmem_shared>>
      tpu.enqueue_dma source(%dma_start3A_27 : memref<632x128xf32, #tpu.memory_space<vmem_shared>>) target(%dma_start3A_25 : memref<632x128xf32, #tpu.memory_space<hbm>>) target_semaphore(%run_scoped3A : memref<!tpu.dma_semaphore, #tpu.memory_space<semaphore_mem>>)
      %dma_wait3A = arith.constant 0 : i32
      %dma_wait3A_28 = tpu.memref_slice %arg4[%add3A_24, %dma_wait3A] : memref<20224x128xf32, #tpu.memory_space<hbm>> -> memref<632x128xf32, #tpu.memory_space<hbm>>
      %dma_wait3A_29 = arith.constant 0 : i32
      %dma_wait3A_30 = tpu.memref_slice %arg7[%mul3A_19, %dma_wait3A_29] : memref<10112x128xf32, #tpu.memory_space<vmem_shared>> -> memref<632x128xf32, #tpu.memory_space<vmem_shared>>
      tpu.wait_dma2 semaphore(%run_scoped3A : memref<!tpu.dma_semaphore, #tpu.memory_space<semaphore_mem>>) src(%dma_wait3A_30 : memref<632x128xf32, #tpu.memory_space<vmem_shared>>) dst(%dma_wait3A_28 : memref<632x128xf32, #tpu.memory_space<hbm>>)
      tpu.yield
    }) : () -> ()
    return
  }
}

#map = affine_map<(d0, d1) -> (0, 0)>
module attributes {stable_mosaic.version = 14 : i64} {
  func.func @_sc_scatter_body(%arg0: i32, %arg1: i32, %arg2: memref<10112x128xf32, #tpu.memory_space<hbm>>, %arg3: memref<2560x128xi32, #tpu.memory_space<hbm>>, %arg4: memref<2560x128xi32, #tpu.memory_space<hbm>>, %arg5: memref<10112x128xf32, #tpu.memory_space<hbm>>, %arg6: memref<20224x128xf32, #tpu.memory_space<hbm>>, %arg7: memref<40x128xi32, #tpu.memory_space<vmem>>, %arg8: memref<40x128xi32, #tpu.memory_space<vmem>>, %arg9: memref<128x128xf32, #tpu.memory_space<vmem>>, %arg10: memref<128x128xf32, #tpu.memory_space<vmem>>, %arg11: memref<10112x128xf32, #tpu.memory_space<vmem_shared>>, %arg12: memref<!tpu.dma_semaphore, #tpu.memory_space<semaphore_mem>>, %arg13: memref<!tpu.dma_semaphore, #tpu.memory_space<semaphore_mem>>, %arg14: memref<!tpu.dma_semaphore, #tpu.memory_space<semaphore_mem>>, %arg15: memref<!tpu.dma_semaphore, #tpu.memory_space<semaphore_mem>>) attributes {dimension_semantics = [#tpu.dimension_semantics<core_parallel>, #tpu.dimension_semantics<subcore_parallel>], iteration_bounds = array<i64: 2, 16>, scalar_prefetch = 0 : i64, scratch_operands = 9 : i64, tpu.core_type = #tpu.core_type<sc_vector_subcore>, window_params = [{transform_indices = #map}, {transform_indices = #map}, {transform_indices = #map}, {transform_indices = #map}, {transform_indices = #map}]} {
    %mul3A = arith.constant 2 : i32
    %mul3A_0 = arith.muli %arg1, %mul3A : i32
    %add3A = arith.addi %mul3A_0, %arg0 : i32
    %mul3A_1 = arith.constant 80 : i32
    %mul3A_2 = arith.muli %add3A, %mul3A_1 : i32
    %mul3A_3 = arith.constant 632 : i32
    %mul3A_4 = arith.muli %arg1, %mul3A_3 : i32
    %mul3A_5 = arith.constant 632 : i32
    %mul3A_6 = arith.muli %arg1, %mul3A_5 : i32
    "tpu.region"() ({
      %run_scoped3A = tpu.sem_alloc : memref<!tpu.dma_semaphore, #tpu.memory_space<semaphore_mem>>
      %dma_start3A = arith.constant 0 : i32
      %dma_start3A_20 = tpu.memref_slice %arg11[%mul3A_6, %dma_start3A] : memref<10112x128xf32, #tpu.memory_space<vmem_shared>> -> memref<632x128xf32, #tpu.memory_space<vmem_shared>>
      %dma_start3A_21 = arith.constant 0 : i32
      %dma_start3A_22 = tpu.memref_slice %arg5[%mul3A_4, %dma_start3A_21] : memref<10112x128xf32, #tpu.memory_space<hbm>> -> memref<632x128xf32, #tpu.memory_space<hbm>>
      tpu.enqueue_dma source(%dma_start3A_22 : memref<632x128xf32, #tpu.memory_space<hbm>>) target(%dma_start3A_20 : memref<632x128xf32, #tpu.memory_space<vmem_shared>>) target_semaphore(%run_scoped3A : memref<!tpu.dma_semaphore, #tpu.memory_space<semaphore_mem>>)
      %dma_wait3A = arith.constant 0 : i32
      %dma_wait3A_23 = tpu.memref_slice %arg11[%mul3A_6, %dma_wait3A] : memref<10112x128xf32, #tpu.memory_space<vmem_shared>> -> memref<632x128xf32, #tpu.memory_space<vmem_shared>>
      %dma_wait3A_24 = arith.constant 0 : i32
      %dma_wait3A_25 = tpu.memref_slice %arg5[%mul3A_4, %dma_wait3A_24] : memref<10112x128xf32, #tpu.memory_space<hbm>> -> memref<632x128xf32, #tpu.memory_space<hbm>>
      tpu.wait_dma2 semaphore(%run_scoped3A : memref<!tpu.dma_semaphore, #tpu.memory_space<semaphore_mem>>) src(%dma_wait3A_25 : memref<632x128xf32, #tpu.memory_space<hbm>>) dst(%dma_wait3A_23 : memref<632x128xf32, #tpu.memory_space<vmem_shared>>)
      tpu.yield
    }) : () -> ()
    %barrier3A = arith.constant 0 : index
    tpu.barrier barrier_id(%barrier3A)
    %scan3A = arith.constant 0 : i32
    %scan3A_7 = arith.constant 0 : i32
    %scan3A_8 = arith.constant 2 : i32
    %scan3A_9 = arith.addi %scan3A_7, %scan3A_8 : i32
    %scan3A_10 = arith.constant 1 : i32
    scf.for %scan3A_20 = %scan3A_7 to %scan3A_9 step %scan3A_10  : i32 {
      %mul3A_21 = arith.constant 40 : i32
      %mul3A_22 = arith.muli %scan3A_20, %mul3A_21 : i32
      %add3A_23 = arith.addi %mul3A_2, %mul3A_22 : i32
      "tpu.region"() ({
        %run_scoped3A = tpu.sem_alloc : memref<!tpu.dma_semaphore, #tpu.memory_space<semaphore_mem>>
        %dma_start3A_39 = arith.constant 0 : i32
        %dma_start3A_40 = tpu.memref_slice %arg3[%add3A_23, %dma_start3A_39] : memref<2560x128xi32, #tpu.memory_space<hbm>> -> memref<40x128xi32, #tpu.memory_space<hbm>>
        %dma_start3A_41 = arith.constant 0 : i32
        %dma_start3A_42 = tpu.memref_slice %arg3[%add3A_23, %dma_start3A_41] : memref<2560x128xi32, #tpu.memory_space<hbm>> -> memref<40x128xi32, #tpu.memory_space<hbm>>
        tpu.enqueue_dma source(%dma_start3A_42 : memref<40x128xi32, #tpu.memory_space<hbm>>) target(%arg7 : memref<40x128xi32, #tpu.memory_space<vmem>>) target_semaphore(%run_scoped3A : memref<!tpu.dma_semaphore, #tpu.memory_space<semaphore_mem>>)
        %dma_wait3A = arith.constant 0 : i32
        %dma_wait3A_43 = tpu.memref_slice %arg3[%add3A_23, %dma_wait3A] : memref<2560x128xi32, #tpu.memory_space<hbm>> -> memref<40x128xi32, #tpu.memory_space<hbm>>
        %dma_wait3A_44 = arith.constant 0 : i32
        %dma_wait3A_45 = tpu.memref_slice %arg3[%add3A_23, %dma_wait3A_44] : memref<2560x128xi32, #tpu.memory_space<hbm>> -> memref<40x128xi32, #tpu.memory_space<hbm>>
        tpu.wait_dma2 semaphore(%run_scoped3A : memref<!tpu.dma_semaphore, #tpu.memory_space<semaphore_mem>>) src(%dma_wait3A_45 : memref<40x128xi32, #tpu.memory_space<hbm>>) dst(%arg7 : memref<40x128xi32, #tpu.memory_space<vmem>>)
        tpu.yield
      }) : () -> ()
      %mul3A_24 = arith.constant 40 : i32
      %mul3A_25 = arith.muli %scan3A_20, %mul3A_24 : i32
      %add3A_26 = arith.addi %mul3A_2, %mul3A_25 : i32
      "tpu.region"() ({
        %run_scoped3A = tpu.sem_alloc : memref<!tpu.dma_semaphore, #tpu.memory_space<semaphore_mem>>
        %dma_start3A_39 = arith.constant 0 : i32
        %dma_start3A_40 = tpu.memref_slice %arg4[%add3A_26, %dma_start3A_39] : memref<2560x128xi32, #tpu.memory_space<hbm>> -> memref<40x128xi32, #tpu.memory_space<hbm>>
        %dma_start3A_41 = arith.constant 0 : i32
        %dma_start3A_42 = tpu.memref_slice %arg4[%add3A_26, %dma_start3A_41] : memref<2560x128xi32, #tpu.memory_space<hbm>> -> memref<40x128xi32, #tpu.memory_space<hbm>>
        tpu.enqueue_dma source(%dma_start3A_42 : memref<40x128xi32, #tpu.memory_space<hbm>>) target(%arg8 : memref<40x128xi32, #tpu.memory_space<vmem>>) target_semaphore(%run_scoped3A : memref<!tpu.dma_semaphore, #tpu.memory_space<semaphore_mem>>)
        %dma_wait3A = arith.constant 0 : i32
        %dma_wait3A_43 = tpu.memref_slice %arg4[%add3A_26, %dma_wait3A] : memref<2560x128xi32, #tpu.memory_space<hbm>> -> memref<40x128xi32, #tpu.memory_space<hbm>>
        %dma_wait3A_44 = arith.constant 0 : i32
        %dma_wait3A_45 = tpu.memref_slice %arg4[%add3A_26, %dma_wait3A_44] : memref<2560x128xi32, #tpu.memory_space<hbm>> -> memref<40x128xi32, #tpu.memory_space<hbm>>
        tpu.wait_dma2 semaphore(%run_scoped3A : memref<!tpu.dma_semaphore, #tpu.memory_space<semaphore_mem>>) src(%dma_wait3A_45 : memref<40x128xi32, #tpu.memory_space<hbm>>) dst(%arg8 : memref<40x128xi32, #tpu.memory_space<vmem>>)
        tpu.yield
      }) : () -> ()
      %dma_start3A = arith.constant 0 : i32
      %dma_start3A_27 = arith.constant 0 : i32
      %dma_start3A_28 = tpu.memref_slice %arg7[%dma_start3A, %dma_start3A_27] : memref<40x128xi32, #tpu.memory_space<vmem>> -> memref<1x128xi32, #tpu.memory_space<vmem>>
      %dma_start3A_29 = tpu.memref_squeeze %dma_start3A_28 : memref<1x128xi32, #tpu.memory_space<vmem>> -> memref<128xi32, #tpu.memory_space<vmem>>
      %dma_start3A_30 = arith.constant 0 : i32
      %dma_start3A_31 = arith.constant 0 : i32
      %dma_start3A_32 = tpu.memref_slice %arg2[%dma_start3A_30, %dma_start3A_31] : memref<10112x128xf32, #tpu.memory_space<hbm>> -> memref<10112x128xf32, #tpu.memory_space<hbm>>
      tpu.enqueue_indirect_dma source(%dma_start3A_32 : memref<10112x128xf32, #tpu.memory_space<hbm>>) target(%arg9 : memref<128x128xf32, #tpu.memory_space<vmem>>) offsets(%dma_start3A_29 : memref<128xi32, #tpu.memory_space<vmem>>) semaphore(%arg12 : memref<!tpu.dma_semaphore, #tpu.memory_space<semaphore_mem>>)
      %scan3A_33 = arith.constant 0 : i32
      %scan3A_34 = arith.constant 0 : i32
      %scan3A_35 = arith.constant 20 : i32
      %scan3A_36 = arith.addi %scan3A_34, %scan3A_35 : i32
      %scan3A_37 = arith.constant 1 : i32
      scf.for %scan3A_39 = %scan3A_34 to %scan3A_36 step %scan3A_37  : i32 {
        %mul3A_40 = arith.constant 2 : i32
        %mul3A_41 = arith.muli %mul3A_40, %scan3A_39 : i32
        %add3A_42 = arith.constant 1 : i32
        %add3A_43 = arith.addi %mul3A_41, %add3A_42 : i32
        %dma_start3A_44 = arith.constant 0 : i32
        %dma_start3A_45 = tpu.memref_slice %arg7[%add3A_43, %dma_start3A_44] : memref<40x128xi32, #tpu.memory_space<vmem>> -> memref<1x128xi32, #tpu.memory_space<vmem>>
        %dma_start3A_46 = tpu.memref_squeeze %dma_start3A_45 : memref<1x128xi32, #tpu.memory_space<vmem>> -> memref<128xi32, #tpu.memory_space<vmem>>
        %dma_start3A_47 = arith.constant 0 : i32
        %dma_start3A_48 = arith.constant 0 : i32
        %dma_start3A_49 = tpu.memref_slice %arg2[%dma_start3A_47, %dma_start3A_48] : memref<10112x128xf32, #tpu.memory_space<hbm>> -> memref<10112x128xf32, #tpu.memory_space<hbm>>
        tpu.enqueue_indirect_dma source(%dma_start3A_49 : memref<10112x128xf32, #tpu.memory_space<hbm>>) target(%arg10 : memref<128x128xf32, #tpu.memory_space<vmem>>) offsets(%dma_start3A_46 : memref<128xi32, #tpu.memory_space<vmem>>) semaphore(%arg13 : memref<!tpu.dma_semaphore, #tpu.memory_space<semaphore_mem>>)
        %dma_wait3A = arith.constant 0 : i32
        %dma_wait3A_50 = tpu.memref_slice %arg7[%mul3A_41, %dma_wait3A] : memref<40x128xi32, #tpu.memory_space<vmem>> -> memref<1x128xi32, #tpu.memory_space<vmem>>
        %dma_wait3A_51 = tpu.memref_squeeze %dma_wait3A_50 : memref<1x128xi32, #tpu.memory_space<vmem>> -> memref<128xi32, #tpu.memory_space<vmem>>
        %dma_wait3A_52 = arith.constant 0 : i32
        %dma_wait3A_53 = arith.constant 0 : i32
        %dma_wait3A_54 = tpu.memref_slice %arg2[%dma_wait3A_52, %dma_wait3A_53] : memref<10112x128xf32, #tpu.memory_space<hbm>> -> memref<10112x128xf32, #tpu.memory_space<hbm>>
        tpu.wait_indirect_dma semaphore(%arg12 : memref<!tpu.dma_semaphore, #tpu.memory_space<semaphore_mem>>) src(%dma_wait3A_54 : memref<10112x128xf32, #tpu.memory_space<hbm>>) dst(%arg9 : memref<128x128xf32, #tpu.memory_space<vmem>>)
        "tpu.region"() ({
          %run_scoped3A = tpu.sem_alloc : memref<!tpu.dma_semaphore, #tpu.memory_space<semaphore_mem>>
          %dma_start3A_63 = arith.constant 0 : i32
          %dma_start3A_64 = tpu.memref_slice %arg8[%mul3A_41, %dma_start3A_63] : memref<40x128xi32, #tpu.memory_space<vmem>> -> memref<1x128xi32, #tpu.memory_space<vmem>>
          %dma_start3A_65 = tpu.memref_squeeze %dma_start3A_64 : memref<1x128xi32, #tpu.memory_space<vmem>> -> memref<128xi32, #tpu.memory_space<vmem>>
          %dma_start3A_66 = arith.constant 0 : i32
          %dma_start3A_67 = arith.constant 0 : i32
          %dma_start3A_68 = tpu.memref_slice %arg11[%dma_start3A_66, %dma_start3A_67] : memref<10112x128xf32, #tpu.memory_space<vmem_shared>> -> memref<10112x128xf32, #tpu.memory_space<vmem_shared>>
          tpu.enqueue_indirect_dma source(%arg9 : memref<128x128xf32, #tpu.memory_space<vmem>>) target(%dma_start3A_68 : memref<10112x128xf32, #tpu.memory_space<vmem_shared>>) offsets(%dma_start3A_65 : memref<128xi32, #tpu.memory_space<vmem>>) semaphore(%run_scoped3A : memref<!tpu.dma_semaphore, #tpu.memory_space<semaphore_mem>>) {add = true}
          %dma_wait3A_69 = arith.constant 0 : i32
          %dma_wait3A_70 = tpu.memref_slice %arg8[%mul3A_41, %dma_wait3A_69] : memref<40x128xi32, #tpu.memory_space<vmem>> -> memref<1x128xi32, #tpu.memory_space<vmem>>
          %dma_wait3A_71 = tpu.memref_squeeze %dma_wait3A_70 : memref<1x128xi32, #tpu.memory_space<vmem>> -> memref<128xi32, #tpu.memory_space<vmem>>
          %dma_wait3A_72 = arith.constant 0 : i32
          %dma_wait3A_73 = arith.constant 0 : i32
          %dma_wait3A_74 = tpu.memref_slice %arg11[%dma_wait3A_72, %dma_wait3A_73] : memref<10112x128xf32, #tpu.memory_space<vmem_shared>> -> memref<10112x128xf32, #tpu.memory_space<vmem_shared>>
          tpu.wait_indirect_dma semaphore(%run_scoped3A : memref<!tpu.dma_semaphore, #tpu.memory_space<semaphore_mem>>) src(%arg9 : memref<128x128xf32, #tpu.memory_space<vmem>>) dst(%dma_wait3A_74 : memref<10112x128xf32, #tpu.memory_space<vmem_shared>>)
          tpu.yield
        }) : () -> ()
        %lt3A = arith.constant 19 : i32
        %lt3A_55 = arith.cmpi slt, %scan3A_39, %lt3A : i32
        %convert_element_type3A = arith.extui %lt3A_55 : i1 to i32
        %cond3A = arith.constant 0 : i32
        %cond3A_56 = arith.cmpi ne, %convert_element_type3A, %cond3A : i32
        scf.if %cond3A_56 {
          %add3A_63 = arith.constant 1 : i32
          %add3A_64 = arith.addi %add3A_43, %add3A_63 : i32
          %dma_start3A_65 = arith.constant 0 : i32
          %dma_start3A_66 = tpu.memref_slice %arg7[%add3A_64, %dma_start3A_65] : memref<40x128xi32, #tpu.memory_space<vmem>> -> memref<1x128xi32, #tpu.memory_space<vmem>>
          %dma_start3A_67 = tpu.memref_squeeze %dma_start3A_66 : memref<1x128xi32, #tpu.memory_space<vmem>> -> memref<128xi32, #tpu.memory_space<vmem>>
          %dma_start3A_68 = arith.constant 0 : i32
          %dma_start3A_69 = arith.constant 0 : i32
          %dma_start3A_70 = tpu.memref_slice %arg2[%dma_start3A_68, %dma_start3A_69] : memref<10112x128xf32, #tpu.memory_space<hbm>> -> memref<10112x128xf32, #tpu.memory_space<hbm>>
          tpu.enqueue_indirect_dma source(%dma_start3A_70 : memref<10112x128xf32, #tpu.memory_space<hbm>>) target(%arg9 : memref<128x128xf32, #tpu.memory_space<vmem>>) offsets(%dma_start3A_67 : memref<128xi32, #tpu.memory_space<vmem>>) semaphore(%arg12 : memref<!tpu.dma_semaphore, #tpu.memory_space<semaphore_mem>>)
        } else {
        }
        %dma_wait3A_57 = arith.constant 0 : i32
        %dma_wait3A_58 = tpu.memref_slice %arg7[%add3A_43, %dma_wait3A_57] : memref<40x128xi32, #tpu.memory_space<vmem>> -> memref<1x128xi32, #tpu.memory_space<vmem>>
        %dma_wait3A_59 = tpu.memref_squeeze %dma_wait3A_58 : memref<1x128xi32, #tpu.memory_space<vmem>> -> memref<128xi32, #tpu.memory_space<vmem>>
        %dma_wait3A_60 = arith.constant 0 : i32
        %dma_wait3A_61 = arith.constant 0 : i32
        %dma_wait3A_62 = tpu.memref_slice %arg2[%dma_wait3A_60, %dma_wait3A_61] : memref<10112x128xf32, #tpu.memory_space<hbm>> -> memref<10112x128xf32, #tpu.memory_space<hbm>>
        tpu.wait_indirect_dma semaphore(%arg13 : memref<!tpu.dma_semaphore, #tpu.memory_space<semaphore_mem>>) src(%dma_wait3A_62 : memref<10112x128xf32, #tpu.memory_space<hbm>>) dst(%arg10 : memref<128x128xf32, #tpu.memory_space<vmem>>)
        "tpu.region"() ({
          %run_scoped3A = tpu.sem_alloc : memref<!tpu.dma_semaphore, #tpu.memory_space<semaphore_mem>>
          %dma_start3A_63 = arith.constant 0 : i32
          %dma_start3A_64 = tpu.memref_slice %arg8[%add3A_43, %dma_start3A_63] : memref<40x128xi32, #tpu.memory_space<vmem>> -> memref<1x128xi32, #tpu.memory_space<vmem>>
          %dma_start3A_65 = tpu.memref_squeeze %dma_start3A_64 : memref<1x128xi32, #tpu.memory_space<vmem>> -> memref<128xi32, #tpu.memory_space<vmem>>
          %dma_start3A_66 = arith.constant 0 : i32
          %dma_start3A_67 = arith.constant 0 : i32
          %dma_start3A_68 = tpu.memref_slice %arg11[%dma_start3A_66, %dma_start3A_67] : memref<10112x128xf32, #tpu.memory_space<vmem_shared>> -> memref<10112x128xf32, #tpu.memory_space<vmem_shared>>
          tpu.enqueue_indirect_dma source(%arg10 : memref<128x128xf32, #tpu.memory_space<vmem>>) target(%dma_start3A_68 : memref<10112x128xf32, #tpu.memory_space<vmem_shared>>) offsets(%dma_start3A_65 : memref<128xi32, #tpu.memory_space<vmem>>) semaphore(%run_scoped3A : memref<!tpu.dma_semaphore, #tpu.memory_space<semaphore_mem>>) {add = true}
          %dma_wait3A_69 = arith.constant 0 : i32
          %dma_wait3A_70 = tpu.memref_slice %arg8[%add3A_43, %dma_wait3A_69] : memref<40x128xi32, #tpu.memory_space<vmem>> -> memref<1x128xi32, #tpu.memory_space<vmem>>
          %dma_wait3A_71 = tpu.memref_squeeze %dma_wait3A_70 : memref<1x128xi32, #tpu.memory_space<vmem>> -> memref<128xi32, #tpu.memory_space<vmem>>
          %dma_wait3A_72 = arith.constant 0 : i32
          %dma_wait3A_73 = arith.constant 0 : i32
          %dma_wait3A_74 = tpu.memref_slice %arg11[%dma_wait3A_72, %dma_wait3A_73] : memref<10112x128xf32, #tpu.memory_space<vmem_shared>> -> memref<10112x128xf32, #tpu.memory_space<vmem_shared>>
          tpu.wait_indirect_dma semaphore(%run_scoped3A : memref<!tpu.dma_semaphore, #tpu.memory_space<semaphore_mem>>) src(%arg10 : memref<128x128xf32, #tpu.memory_space<vmem>>) dst(%dma_wait3A_74 : memref<10112x128xf32, #tpu.memory_space<vmem_shared>>)
          tpu.yield
        }) : () -> ()
      }
      %scan3A_38 = arith.constant 20 : i32
    }
    %scan3A_11 = arith.constant 2 : i32
    %barrier3A_12 = arith.constant 0 : index
    tpu.barrier barrier_id(%barrier3A_12)
    %mul3A_13 = arith.constant 632 : i32
    %mul3A_14 = arith.muli %arg1, %mul3A_13 : i32
    %mul3A_15 = arith.constant 10112 : i32
    %mul3A_16 = arith.muli %arg0, %mul3A_15 : i32
    %mul3A_17 = arith.constant 632 : i32
    %mul3A_18 = arith.muli %arg1, %mul3A_17 : i32
    %add3A_19 = arith.addi %mul3A_16, %mul3A_18 : i32
    "tpu.region"() ({
      %run_scoped3A = tpu.sem_alloc : memref<!tpu.dma_semaphore, #tpu.memory_space<semaphore_mem>>
      %dma_start3A = arith.constant 0 : i32
      %dma_start3A_20 = tpu.memref_slice %arg6[%add3A_19, %dma_start3A] : memref<20224x128xf32, #tpu.memory_space<hbm>> -> memref<632x128xf32, #tpu.memory_space<hbm>>
      %dma_start3A_21 = arith.constant 0 : i32
      %dma_start3A_22 = tpu.memref_slice %arg11[%mul3A_14, %dma_start3A_21] : memref<10112x128xf32, #tpu.memory_space<vmem_shared>> -> memref<632x128xf32, #tpu.memory_space<vmem_shared>>
      tpu.enqueue_dma source(%dma_start3A_22 : memref<632x128xf32, #tpu.memory_space<vmem_shared>>) target(%dma_start3A_20 : memref<632x128xf32, #tpu.memory_space<hbm>>) target_semaphore(%run_scoped3A : memref<!tpu.dma_semaphore, #tpu.memory_space<semaphore_mem>>)
      %dma_wait3A = arith.constant 0 : i32
      %dma_wait3A_23 = tpu.memref_slice %arg6[%add3A_19, %dma_wait3A] : memref<20224x128xf32, #tpu.memory_space<hbm>> -> memref<632x128xf32, #tpu.memory_space<hbm>>
      %dma_wait3A_24 = arith.constant 0 : i32
      %dma_wait3A_25 = tpu.memref_slice %arg11[%mul3A_14, %dma_wait3A_24] : memref<10112x128xf32, #tpu.memory_space<vmem_shared>> -> memref<632x128xf32, #tpu.memory_space<vmem_shared>>
      tpu.wait_dma2 semaphore(%run_scoped3A : memref<!tpu.dma_semaphore, #tpu.memory_space<semaphore_mem>>) src(%dma_wait3A_25 : memref<632x128xf32, #tpu.memory_space<vmem_shared>>) dst(%dma_wait3A_23 : memref<632x128xf32, #tpu.memory_space<hbm>>)
      tpu.yield
    }) : () -> ()
    return
  }
}

module attributes {stable_mosaic.version = 14 : i64} {
  func.func @_tc_a_body(%arg0: i32, %arg1: memref<128x128xf32, #tpu.memory_space<vmem>>, %arg2: memref<128x128xf32, #tpu.memory_space<vmem>>, %arg3: memref<2x128x128xf32, #tpu.memory_space<vmem>>, %arg4: memref<128x128xf32, #tpu.memory_space<vmem>>, %arg5: memref<128x128xf32, #tpu.memory_space<vmem>>) attributes {dimension_semantics = [#tpu.dimension_semantics<arbitrary>], iteration_bounds = array<i64: 79>, scalar_prefetch = 0 : i64, scratch_operands = 0 : i64, tpu.core_type = #tpu.core_type<tc>, window_params = [{transform_indices = @transform_0, window_bounds = array<i64: 128, 128>}, {pipeline_mode = #tpu.pipeline_mode<synchronous>, transform_indices = @transform_1, window_bounds = array<i64: 128, 128>}, {transform_indices = @transform_2, window_bounds = array<i64: 2, 128, 128>}, {transform_indices = @transform_3, window_bounds = array<i64: 128, 128>}, {transform_indices = @transform_4, window_bounds = array<i64: 128, 128>}]} {
    %get3A = arith.constant 0 : index
    %get3A_0 = arith.constant 0 : index
    %get3A_1 = arith.constant 0 : index
    %get3A_2 = vector.load %arg3[%get3A, %get3A_0, %get3A_1] : memref<2x128x128xf32, #tpu.memory_space<vmem>>, vector<1x128x128xf32>
    %get3A_3 = vector.shape_cast %get3A_2 : vector<1x128x128xf32> to vector<128x128xf32>
    %get3A_4 = arith.constant 1 : index
    %get3A_5 = arith.constant 0 : index
    %get3A_6 = arith.constant 0 : index
    %get3A_7 = vector.load %arg3[%get3A_4, %get3A_5, %get3A_6] : memref<2x128x128xf32, #tpu.memory_space<vmem>>, vector<1x128x128xf32>
    %get3A_8 = vector.shape_cast %get3A_7 : vector<1x128x128xf32> to vector<128x128xf32>
    %add3A = arith.addf %get3A_3, %get3A_8 : vector<128x128xf32>
    %add3A_9 = arith.constant 1.000000e+00 : f32
    %add3A_10 = vector.broadcast %add3A_9 : f32 to vector<128x128xf32>
    %add3A_11 = arith.addf %add3A, %add3A_10 : vector<128x128xf32>
    %rsqrt3A = math.rsqrt %add3A_11 : vector<128x128xf32>
    %get3A_12 = arith.constant 0 : index
    %get3A_13 = arith.constant 0 : index
    %get3A_14 = vector.load %arg1[%get3A_12, %get3A_13] : memref<128x128xf32, #tpu.memory_space<vmem>>, vector<128x128xf32>
    %get3A_15 = arith.constant 0 : index
    %get3A_16 = arith.constant 0 : index
    %get3A_17 = vector.load %arg2[%get3A_15, %get3A_16] : memref<128x128xf32, #tpu.memory_space<vmem>>, vector<128x128xf32>
    %dot_general3A = arith.constant dense<0.000000e+00> : vector<128x128xf32>
    %dot_general3A_18 = tpu.matmul %get3A_14, %get3A_17, %dot_general3A {dimension_numbers = #tpu.dot_dimension_numbers<[1], [1], [0], [0], [0, 0, 1, 0], [], []>, transpose_lhs_hint = false} : vector<128x128xf32>, vector<128x128xf32>, vector<128x128xf32> -> vector<128x128xf32>
    %swap3A = arith.constant 0 : index
    %swap3A_19 = arith.constant 0 : index
    %swap3A_20 = vector.load %arg4[%swap3A, %swap3A_19] : memref<128x128xf32, #tpu.memory_space<vmem>>, vector<128x128xf32>
    tpu.vector_store %arg4[%swap3A, %swap3A_19], %dot_general3A_18 {strides = array<i32>} : memref<128x128xf32, #tpu.memory_space<vmem>>, vector<128x128xf32>,
    %mul3A = arith.mulf %dot_general3A_18, %rsqrt3A : vector<128x128xf32>
    %swap3A_21 = arith.constant 0 : index
    %swap3A_22 = arith.constant 0 : index
    %swap3A_23 = vector.load %arg5[%swap3A_21, %swap3A_22] : memref<128x128xf32, #tpu.memory_space<vmem>>, vector<128x128xf32>
    tpu.vector_store %arg5[%swap3A_21, %swap3A_22], %mul3A {strides = array<i32>} : memref<128x128xf32, #tpu.memory_space<vmem>>, vector<128x128xf32>,
    return
  }
  func.func @transform_0(%arg0: i32) -> (i32, i32) {
    %c0_i32 = arith.constant 0 : i32
    %c0_i32_0 = arith.constant 0 : i32
    return %arg0, %c0_i32 : i32, i32
  }
  func.func @transform_1(%arg0: i32) -> (i32, i32) {
    %c0_i32 = arith.constant 0 : i32
    %c0_i32_0 = arith.constant 0 : i32
    %c0_i32_1 = arith.constant 0 : i32
    return %c0_i32, %c0_i32_0 : i32, i32
  }
  func.func @transform_2(%arg0: i32) -> (i32, i32, i32) {
    %c0_i32 = arith.constant 0 : i32
    %c0_i32_0 = arith.constant 0 : i32
    %c0_i32_1 = arith.constant 0 : i32
    return %c0_i32, %arg0, %c0_i32_0 : i32, i32, i32
  }
  func.func @transform_3(%arg0: i32) -> (i32, i32) {
    %c0_i32 = arith.constant 0 : i32
    %c0_i32_0 = arith.constant 0 : i32
    return %arg0, %c0_i32 : i32, i32
  }
  func.func @transform_4(%arg0: i32) -> (i32, i32) {
    %c0_i32 = arith.constant 0 : i32
    %c0_i32_0 = arith.constant 0 : i32
    return %arg0, %c0_i32 : i32, i32
  }
}

module attributes {stable_mosaic.version = 14 : i64} {
  func.func @_tc_b_body(%arg0: i32, %arg1: memref<2x128x128xf32, #tpu.memory_space<vmem>>, %arg2: memref<128x128xf32, #tpu.memory_space<vmem>>, %arg3: memref<2x128x128xf32, #tpu.memory_space<vmem>>, %arg4: memref<1x128xf32, #tpu.memory_space<vmem>>, %arg5: memref<128x128xf32, #tpu.memory_space<vmem>>, %arg6: memref<128x128xf32, #tpu.memory_space<vmem>>, %arg7: memref<128x128xf32, #tpu.memory_space<vmem>>) attributes {dimension_semantics = [#tpu.dimension_semantics<arbitrary>], iteration_bounds = array<i64: 79>, scalar_prefetch = 0 : i64, scratch_operands = 0 : i64, tpu.core_type = #tpu.core_type<tc>, window_params = [{transform_indices = @transform_0, window_bounds = array<i64: 2, 128, 128>}, {transform_indices = @transform_1, window_bounds = array<i64: 128, 128>}, {transform_indices = @transform_2, window_bounds = array<i64: 2, 128, 128>}, {pipeline_mode = #tpu.pipeline_mode<synchronous>, transform_indices = @transform_3, window_bounds = array<i64: 1, 128>}, {pipeline_mode = #tpu.pipeline_mode<synchronous>, transform_indices = @transform_4, window_bounds = array<i64: 128, 128>}, {transform_indices = @transform_5, window_bounds = array<i64: 128, 128>}, {transform_indices = @transform_6, window_bounds = array<i64: 128, 128>}]} {
    %get3A = arith.constant 0 : index
    %get3A_0 = arith.constant 0 : index
    %get3A_1 = arith.constant 0 : index
    %get3A_2 = vector.load %arg3[%get3A, %get3A_0, %get3A_1] : memref<2x128x128xf32, #tpu.memory_space<vmem>>, vector<1x128x128xf32>
    %get3A_3 = vector.shape_cast %get3A_2 : vector<1x128x128xf32> to vector<128x128xf32>
    %get3A_4 = arith.constant 1 : index
    %get3A_5 = arith.constant 0 : index
    %get3A_6 = arith.constant 0 : index
    %get3A_7 = vector.load %arg3[%get3A_4, %get3A_5, %get3A_6] : memref<2x128x128xf32, #tpu.memory_space<vmem>>, vector<1x128x128xf32>
    %get3A_8 = vector.shape_cast %get3A_7 : vector<1x128x128xf32> to vector<128x128xf32>
    %add3A = arith.addf %get3A_3, %get3A_8 : vector<128x128xf32>
    %add3A_9 = arith.constant 1.000000e+00 : f32
    %add3A_10 = vector.broadcast %add3A_9 : f32 to vector<128x128xf32>
    %add3A_11 = arith.addf %add3A, %add3A_10 : vector<128x128xf32>
    %rsqrt3A = math.rsqrt %add3A_11 : vector<128x128xf32>
    %get3A_12 = arith.constant 0 : index
    %get3A_13 = arith.constant 0 : index
    %get3A_14 = arith.constant 0 : index
    %get3A_15 = vector.load %arg1[%get3A_12, %get3A_13, %get3A_14] : memref<2x128x128xf32, #tpu.memory_space<vmem>>, vector<1x128x128xf32>
    %get3A_16 = vector.shape_cast %get3A_15 : vector<1x128x128xf32> to vector<128x128xf32>
    %get3A_17 = arith.constant 1 : index
    %get3A_18 = arith.constant 0 : index
    %get3A_19 = arith.constant 0 : index
    %get3A_20 = vector.load %arg1[%get3A_17, %get3A_18, %get3A_19] : memref<2x128x128xf32, #tpu.memory_space<vmem>>, vector<1x128x128xf32>
    %get3A_21 = vector.shape_cast %get3A_20 : vector<1x128x128xf32> to vector<128x128xf32>
    %add3A_22 = arith.addf %get3A_16, %get3A_21 : vector<128x128xf32>
    %mul3A = arith.mulf %rsqrt3A, %add3A_22 : vector<128x128xf32>
    %mul3A_23 = arith.mulf %rsqrt3A, %rsqrt3A : vector<128x128xf32>
    %get3A_24 = arith.constant 0 : index
    %get3A_25 = arith.constant 0 : index
    %get3A_26 = vector.load %arg2[%get3A_24, %get3A_25] : memref<128x128xf32, #tpu.memory_space<vmem>>, vector<128x128xf32>
    %mul3A_27 = arith.mulf %mul3A_23, %get3A_26 : vector<128x128xf32>
    %add3A_28 = arith.addf %mul3A, %mul3A_27 : vector<128x128xf32>
    %get3A_29 = arith.constant 0 : index
    %get3A_30 = arith.constant 0 : index
    %get3A_31 = vector.load %arg4[%get3A_29, %get3A_30] : memref<1x128xf32, #tpu.memory_space<vmem>>, vector<1x128xf32>
    %add3A_32 = vector.broadcast %get3A_31 : vector<1x128xf32> to vector<128x128xf32>
    %add3A_33 = arith.addf %add3A_28, %add3A_32 : vector<128x128xf32>
    %max3A = arith.constant 0.000000e+00 : f32
    %max3A_34 = vector.broadcast %max3A : f32 to vector<128x128xf32>
    %max3A_35 = arith.maximumf %add3A_33, %max3A_34 : vector<128x128xf32>
    %iota3A = tpu.iota {dimensions = array<i32: 0>} : vector<128x1xi32>
    %mul3A_36 = arith.constant 128 : i32
    %mul3A_37 = arith.muli %arg0, %mul3A_36 : i32
    %add3A_38 = vector.broadcast %mul3A_37 : i32 to vector<128x1xi32>
    %add3A_39 = arith.addi %iota3A, %add3A_38 : vector<128x1xi32>
    %lt3A = arith.constant 10000 : i32
    %lt3A_40 = vector.broadcast %lt3A : i32 to vector<128x1xi32>
    %lt3A_41 = arith.cmpi slt, %add3A_39, %lt3A_40 : vector<128x1xi32>
    %jit3A = arith.constant 0.000000e+00 : f32
    %broadcast_in_dim3A = vector.shape_cast %lt3A_41 : vector<128x1xi1> to vector<128x1xi1>
    %broadcast_in_dim3A_42 = vector.broadcast %broadcast_in_dim3A : vector<128x1xi1> to vector<128x128xi1>
    %broadcast_in_dim3A_43 = vector.broadcast %jit3A : f32 to vector<128x128xf32>
    %select_n3A = arith.select %broadcast_in_dim3A_42, %max3A_35, %broadcast_in_dim3A_43 : vector<128x128xi1>, vector<128x128xf32>
    %get3A_44 = arith.constant 0 : index
    %get3A_45 = arith.constant 0 : index
    %get3A_46 = vector.load %arg5[%get3A_44, %get3A_45] : memref<128x128xf32, #tpu.memory_space<vmem>>, vector<128x128xf32>
    %dot_general3A = arith.constant dense<0.000000e+00> : vector<128x128xf32>
    %dot_general3A_47 = tpu.matmul %select_n3A, %get3A_46, %dot_general3A {dimension_numbers = #tpu.dot_dimension_numbers<[1], [1], [0], [0], [0, 0, 1, 0], [], []>, transpose_lhs_hint = false} : vector<128x128xf32>, vector<128x128xf32>, vector<128x128xf32> -> vector<128x128xf32>
    %swap3A = arith.constant 0 : index
    %swap3A_48 = arith.constant 0 : index
    %swap3A_49 = vector.load %arg6[%swap3A, %swap3A_48] : memref<128x128xf32, #tpu.memory_space<vmem>>, vector<128x128xf32>
    tpu.vector_store %arg6[%swap3A, %swap3A_48], %dot_general3A_47 {strides = array<i32>} : memref<128x128xf32, #tpu.memory_space<vmem>>, vector<128x128xf32>,
    %mul3A_50 = arith.mulf %dot_general3A_47, %rsqrt3A : vector<128x128xf32>
    %swap3A_51 = arith.constant 0 : index
    %swap3A_52 = arith.constant 0 : index
    %swap3A_53 = vector.load %arg7[%swap3A_51, %swap3A_52] : memref<128x128xf32, #tpu.memory_space<vmem>>, vector<128x128xf32>
    tpu.vector_store %arg7[%swap3A_51, %swap3A_52], %mul3A_50 {strides = array<i32>} : memref<128x128xf32, #tpu.memory_space<vmem>>, vector<128x128xf32>,
    return
  }
  func.func @transform_0(%arg0: i32) -> (i32, i32, i32) {
    %c0_i32 = arith.constant 0 : i32
    %c0_i32_0 = arith.constant 0 : i32
    %c0_i32_1 = arith.constant 0 : i32
    return %c0_i32, %arg0, %c0_i32_0 : i32, i32, i32
  }
  func.func @transform_1(%arg0: i32) -> (i32, i32) {
    %c0_i32 = arith.constant 0 : i32
    %c0_i32_0 = arith.constant 0 : i32
    return %arg0, %c0_i32 : i32, i32
  }
  func.func @transform_2(%arg0: i32) -> (i32, i32, i32) {
    %c0_i32 = arith.constant 0 : i32
    %c0_i32_0 = arith.constant 0 : i32
    %c0_i32_1 = arith.constant 0 : i32
    return %c0_i32, %arg0, %c0_i32_0 : i32, i32, i32
  }
  func.func @transform_3(%arg0: i32) -> (i32, i32) {
    %c0_i32 = arith.constant 0 : i32
    %c0_i32_0 = arith.constant 0 : i32
    %c0_i32_1 = arith.constant 0 : i32
    return %c0_i32, %c0_i32_0 : i32, i32
  }
  func.func @transform_4(%arg0: i32) -> (i32, i32) {
    %c0_i32 = arith.constant 0 : i32
    %c0_i32_0 = arith.constant 0 : i32
    %c0_i32_1 = arith.constant 0 : i32
    return %c0_i32, %c0_i32_0 : i32, i32
  }
  func.func @transform_5(%arg0: i32) -> (i32, i32) {
    %c0_i32 = arith.constant 0 : i32
    %c0_i32_0 = arith.constant 0 : i32
    return %arg0, %c0_i32 : i32, i32
  }
  func.func @transform_6(%arg0: i32) -> (i32, i32) {
    %c0_i32 = arith.constant 0 : i32
    %c0_i32_0 = arith.constant 0 : i32
    return %arg0, %c0_i32 : i32, i32
  }
}

module attributes {stable_mosaic.version = 14 : i64} {
  func.func @_tc_c_body(%arg0: i32, %arg1: memref<2x128x128xf32, #tpu.memory_space<vmem>>, %arg2: memref<128x128xf32, #tpu.memory_space<vmem>>, %arg3: memref<2x128x128xf32, #tpu.memory_space<vmem>>, %arg4: memref<1x128xf32, #tpu.memory_space<vmem>>, %arg5: memref<128x128xf32, #tpu.memory_space<vmem>>) attributes {dimension_semantics = [#tpu.dimension_semantics<arbitrary>], iteration_bounds = array<i64: 79>, scalar_prefetch = 0 : i64, scratch_operands = 0 : i64, tpu.core_type = #tpu.core_type<tc>, window_params = [{transform_indices = @transform_0, window_bounds = array<i64: 2, 128, 128>}, {transform_indices = @transform_1, window_bounds = array<i64: 128, 128>}, {transform_indices = @transform_2, window_bounds = array<i64: 2, 128, 128>}, {pipeline_mode = #tpu.pipeline_mode<synchronous>, transform_indices = @transform_3, window_bounds = array<i64: 1, 128>}, {transform_indices = @transform_4, window_bounds = array<i64: 128, 128>}]} {
    %get3A = arith.constant 0 : index
    %get3A_0 = arith.constant 0 : index
    %get3A_1 = arith.constant 0 : index
    %get3A_2 = vector.load %arg3[%get3A, %get3A_0, %get3A_1] : memref<2x128x128xf32, #tpu.memory_space<vmem>>, vector<1x128x128xf32>
    %get3A_3 = vector.shape_cast %get3A_2 : vector<1x128x128xf32> to vector<128x128xf32>
    %get3A_4 = arith.constant 1 : index
    %get3A_5 = arith.constant 0 : index
    %get3A_6 = arith.constant 0 : index
    %get3A_7 = vector.load %arg3[%get3A_4, %get3A_5, %get3A_6] : memref<2x128x128xf32, #tpu.memory_space<vmem>>, vector<1x128x128xf32>
    %get3A_8 = vector.shape_cast %get3A_7 : vector<1x128x128xf32> to vector<128x128xf32>
    %add3A = arith.addf %get3A_3, %get3A_8 : vector<128x128xf32>
    %add3A_9 = arith.constant 1.000000e+00 : f32
    %add3A_10 = vector.broadcast %add3A_9 : f32 to vector<128x128xf32>
    %add3A_11 = arith.addf %add3A, %add3A_10 : vector<128x128xf32>
    %rsqrt3A = math.rsqrt %add3A_11 : vector<128x128xf32>
    %get3A_12 = arith.constant 0 : index
    %get3A_13 = arith.constant 0 : index
    %get3A_14 = arith.constant 0 : index
    %get3A_15 = vector.load %arg1[%get3A_12, %get3A_13, %get3A_14] : memref<2x128x128xf32, #tpu.memory_space<vmem>>, vector<1x128x128xf32>
    %get3A_16 = vector.shape_cast %get3A_15 : vector<1x128x128xf32> to vector<128x128xf32>
    %get3A_17 = arith.constant 1 : index
    %get3A_18 = arith.constant 0 : index
    %get3A_19 = arith.constant 0 : index
    %get3A_20 = vector.load %arg1[%get3A_17, %get3A_18, %get3A_19] : memref<2x128x128xf32, #tpu.memory_space<vmem>>, vector<1x128x128xf32>
    %get3A_21 = vector.shape_cast %get3A_20 : vector<1x128x128xf32> to vector<128x128xf32>
    %add3A_22 = arith.addf %get3A_16, %get3A_21 : vector<128x128xf32>
    %mul3A = arith.mulf %rsqrt3A, %add3A_22 : vector<128x128xf32>
    %mul3A_23 = arith.mulf %rsqrt3A, %rsqrt3A : vector<128x128xf32>
    %get3A_24 = arith.constant 0 : index
    %get3A_25 = arith.constant 0 : index
    %get3A_26 = vector.load %arg2[%get3A_24, %get3A_25] : memref<128x128xf32, #tpu.memory_space<vmem>>, vector<128x128xf32>
    %mul3A_27 = arith.mulf %mul3A_23, %get3A_26 : vector<128x128xf32>
    %add3A_28 = arith.addf %mul3A, %mul3A_27 : vector<128x128xf32>
    %get3A_29 = arith.constant 0 : index
    %get3A_30 = arith.constant 0 : index
    %get3A_31 = vector.load %arg4[%get3A_29, %get3A_30] : memref<1x128xf32, #tpu.memory_space<vmem>>, vector<1x128xf32>
    %add3A_32 = vector.broadcast %get3A_31 : vector<1x128xf32> to vector<128x128xf32>
    %add3A_33 = arith.addf %add3A_28, %add3A_32 : vector<128x128xf32>
    %swap3A = arith.constant 0 : index
    %swap3A_34 = arith.constant 0 : index
    %swap3A_35 = vector.load %arg5[%swap3A, %swap3A_34] : memref<128x128xf32, #tpu.memory_space<vmem>>, vector<128x128xf32>
    tpu.vector_store %arg5[%swap3A, %swap3A_34], %add3A_33 {strides = array<i32>} : memref<128x128xf32, #tpu.memory_space<vmem>>, vector<128x128xf32>,
    return
  }
  func.func @transform_0(%arg0: i32) -> (i32, i32, i32) {
    %c0_i32 = arith.constant 0 : i32
    %c0_i32_0 = arith.constant 0 : i32
    %c0_i32_1 = arith.constant 0 : i32
    return %c0_i32, %arg0, %c0_i32_0 : i32, i32, i32
  }
  func.func @transform_1(%arg0: i32) -> (i32, i32) {
    %c0_i32 = arith.constant 0 : i32
    %c0_i32_0 = arith.constant 0 : i32
    return %arg0, %c0_i32 : i32, i32
  }
  func.func @transform_2(%arg0: i32) -> (i32, i32, i32) {
    %c0_i32 = arith.constant 0 : i32
    %c0_i32_0 = arith.constant 0 : i32
    %c0_i32_1 = arith.constant 0 : i32
    return %c0_i32, %arg0, %c0_i32_0 : i32, i32, i32
  }
  func.func @transform_3(%arg0: i32) -> (i32, i32) {
    %c0_i32 = arith.constant 0 : i32
    %c0_i32_0 = arith.constant 0 : i32
    %c0_i32_1 = arith.constant 0 : i32
    return %c0_i32, %c0_i32_0 : i32, i32
  }
  func.func @transform_4(%arg0: i32) -> (i32, i32) {
    %c0_i32 = arith.constant 0 : i32
    %c0_i32_0 = arith.constant 0 : i32
    return %arg0, %c0_i32 : i32, i32
  }
}

</mosaic_0001>

<sc_bundles>
// kernel: kernel.11.cloned.1.call-start
scs
__scs_entry_jumppad:
0x0: {  	(pc) =	sbr.rel $0x88, $3  }
0x1: {  	(tag) =	ssettag $0x0;
	lr =	simm.s32 $0x1  }
0x2: {  	[smem:$0x3F9B] =	sst lr;
	_ =	strace $0xD0000000  }
0x3: {  	_ = 	snop  }
0x4: {  	_ = 	snop  }
0x5: {  	_ = 	snop  }
0x6: {  	_ = 	snop  }
0x7: {  	_ = 	snop  }
__scs_overlays_trampoline_lowered:
0x8: {  	[smem:$0x3FAA] =	sst s0  }
0x9: {  	[smem:$0x3FAB] =	sst s1  }
0xa: {  	[smem:$0x3FAC] =	sst s2  }
0xb: {  	[smem:$0x3FAD] =	sst s3  }
0xc: {  	[smem:$0x3FAE] =	sst s4  }
0xd: {  	[smem:$0x3FAF] =	sst s5  }
0xe: {  	[smem:$0x3FB0] =	sst s6  }
0xf: {  	[smem:$0x3FB1] =	sst s7  }
0x10: {  	[smem:$0x3FB2] =	sst s8  }
0x11: {  	[smem:$0x3FB3] =	sst s9;
	s0 =	simm.s32 @!p0 $0x0  }
0x12: {  	s1 =	sld [smem:$0x3F99];
	s0 =	simm.s32 @p0 $0x1  }
0x13: {  	[smem:$0x3FB4] =	sst s0;
	s0 =	simm.s32 @!p1 $0x0  }
0x14: {  	s2 =	sld [smem:$0x3F98];
	s0 =	simm.s32 @p1 $0x1  }
0x15: {  	[smem:$0x3FB5] =	sst s0;
	s0 =	simm.s32 @!p2 $0x0  }
0x16: {  	s3 =	sld [smem:$0x3FDB];
	s0 =	simm.s32 @p2 $0x1  }
0x17: {  	s4 =	simm.s32 $0x1BF5;
	[smem:$0x3FB7] =	sst s0  }
0x18: {  	s0 =	sld [smem:$0x3F9A];
	_ =	swait.ge [sflag:s4], $0x0  }
0x19: {  	s7 =	sld [smem:$0x3F9B]  }
0x1a: {  	s8 =	sadd.s32 $0xFFFFE003, lr  }
0x1b: {  	s9 =	sadd.s32 $0xFFFFFEF7, lr;
	s5 =	simm.s32 $0xFFFFFFFF;
	p2 =	slt.u32 s8, $0xFFFFF086  }
0x1c: {  	p1 =	slt.u32 s9, $0xF7A;
	s5 =	simm.s32 @!p2 $0x0  }
0x1d: {  	s5 =	simm.s32 @p1 $0x1;
	p0 =	seq.s32 s7, s2  }
0x1e: {  	s7 =	smul.u32 @!p0 $0xF7A, s2;
	p2 =	seq.s32 @!p0 s5, $0x0  }
0x1f: {  	s9 =	smul.u32 $0xF7A, s1;
	s8 =	simm.s32 @!p0 $0x1BF5;
	p2 =	por !p2, p0  }
0x20: {  	[sflag:s8] =	ssyncset.s32 @!p0 $0xFFFFF086;
	s6 =	sadd.s32 @!p0 s3, s7;
	s7 =	simm.s32 @!p0 $0x108  }
0x21: {  	s3 =	sadd.s32 s3, s9;
	s6 =	sadd.s32 @!p0 $0x88, s6;
	s7 =	simm.s32 @p2 $0x1082  }
0x22: {  	[simem:s7], [sflag:s8] =	dma.local @!p0 [hbm:s6], $0xF7A  }
0x23: {  	s9 =	sor.u32 $0xD0000000, s2;
	s6 =	simm.s32 $0x108;
	_ =	swait.ge @!p0 [sflag:s8], $0x0  }
0x24: {  	s3 =	sadd.s32 $0x88, s3;
	s6 =	simm.s32 @!p1 $0x1082;
	[sflag:s4] =	ssyncset.s32 $0xFFFFF086  }
0x25: {  	[simem:s6], [sflag:s4] =	dma.local [hbm:s3], $0xF7A  }
0x26: {  	[smem:$0x3F9B] =	sst s1;
	(tag) =	ssettag s2;
	_ =	strace s9  }
0x27: {  	s1 =	sld [smem:$0x3FAB]  }
0x28: {  	s2 =	sld [smem:$0x3FAC]  }
0x29: {  	s4 =	sld [smem:$0x3FAE]  }
0x2a: {  	p0 =	seq.s32 s5, $0x0;
	s5 =	sld [smem:$0x3FAF]  }
0x2b: {  	s6 =	sld [smem:$0x3FB0]  }
0x2c: {  	s7 =	sld [smem:$0x3FB1]  }
0x2d: {  	s3 =	simm.s32 $0x108;
	s8 =	sld [smem:$0x3FB2]  }
0x2e: {  	s3 =	simm.s32 @!p0 $0x1082;
	s9 =	sld [smem:$0x3FB3]  }
0x2f: {  	lr =	sadd.s32 s0, s3;
	s0 =	sld [smem:$0x3FAA]  }
0x30: {  	s3 =	sld [smem:$0x3FAD]  }
0x31: {  	[smem:$0x3FB6] =	sst s10  }
0x32: {  	s10 =	sld [smem:$0x3FB4];
	_ =	sdelay $0x3  }
0x33: {  	p0 =	seq.s32 s10, $0x1;
	s10 =	sld [smem:$0x3FB6];
	_ =	sdelay $0x3  }
0x34: {  	[smem:$0x3FB6] =	sst s10  }
0x35: {  	s10 =	sld [smem:$0x3FB5];
	_ =	sdelay $0x3  }
0x36: {  	p1 =	seq.s32 s10, $0x1;
	s10 =	sld [smem:$0x3FB6];
	_ =	sdelay $0x3  }
0x37: {  	[smem:$0x3FB6] =	sst s10  }
0x38: {  	s10 =	sld [smem:$0x3FB7]  }
0x39: {  	_ = 	snop;
	(pc) =	sbr.ind lr, $3  }
0x3a: {  	_ = 	snop  }
0x3b: {  	_ = 	snop  }
0x3c: {  	p2 =	seq.s32 s10, $0x1;
	s10 =	sld [smem:$0x3FB6]  }
0x3d: {  	_ =	shalt  }
0x3e: {  	_ =	shalt  }
0x3f: {  	_ =	shalt  }
0x40: {  	_ =	shalt  }
0x41: {  	_ =	shalt  }
0x42: {  	_ =	shalt  }
0x43: {  	_ =	shalt  }
0x44: {  	_ =	shalt  }
0x45: {  	_ =	shalt  }
0x46: {  	_ =	shalt  }
0x47: {  	_ =	shalt  }
0x48: {  	_ =	shalt  }
0x49: {  	_ =	shalt  }
0x4a: {  	_ =	shalt  }
0x4b: {  	_ =	shalt  }
0x4c: {  	_ =	shalt  }
0x4d: {  	_ =	shalt  }
0x4e: {  	_ =	shalt  }
0x4f: {  	_ =	shalt  }
0x50: {  	_ =	shalt  }
0x51: {  	_ =	shalt  }
0x52: {  	_ =	shalt  }
0x53: {  	_ =	shalt  }
0x54: {  	_ =	shalt  }
0x55: {  	_ =	shalt  }
0x56: {  	_ =	shalt  }
0x57: {  	_ =	shalt  }
0x58: {  	_ =	shalt  }
0x59: {  	_ =	shalt  }
0x5a: {  	_ =	shalt  }
0x5b: {  	_ =	shalt  }
0x5c: {  	_ =	shalt  }
0x5d: {  	_ =	shalt  }
0x5e: {  	_ =	shalt  }
0x5f: {  	_ =	shalt  }
0x60: {  	_ =	shalt  }
0x61: {  	_ =	shalt  }
0x62: {  	_ =	shalt  }
0x63: {  	_ =	shalt  }
0x64: {  	_ =	shalt  }
0x65: {  	_ =	shalt  }
0x66: {  	_ =	shalt  }
0x67: {  	_ =	shalt  }
0x68: {  	_ =	shalt  }
0x69: {  	_ =	shalt  }
0x6a: {  	_ =	shalt  }
0x6b: {  	_ =	shalt  }
0x6c: {  	_ =	shalt  }
0x6d: {  	_ =	shalt  }
0x6e: {  	_ =	shalt  }
0x6f: {  	_ =	shalt  }
0x70: {  	_ =	shalt  }
0x71: {  	_ =	shalt  }
0x72: {  	_ =	shalt  }
0x73: {  	_ =	shalt  }
0x74: {  	_ =	shalt  }
0x75: {  	_ =	shalt  }
0x76: {  	_ =	shalt  }
0x77: {  	_ =	shalt  }
0x78: {  	_ =	shalt  }
0x79: {  	_ =	shalt  }
0x7a: {  	_ =	shalt  }
0x7b: {  	_ =	shalt  }
0x7c: {  	_ =	shalt  }
0x7d: {  	_ =	shalt  }
0x7e: {  	_ =	shalt  }
0x7f: {  	_ =	shalt  }
0x80: {  	_ =	shalt  }
0x81: {  	_ =	shalt  }
0x82: {  	_ =	shalt  }
0x83: {  	_ =	shalt  }
0x84: {  	_ =	shalt  }
0x85: {  	_ =	shalt  }
0x86: {  	_ =	shalt  }
0x87: {  	_ =	shalt  }
.Lfunc_end0:
.L_simem_size_0:
called_computation.1_lowered:
.L_overlay_start_0:
0x88: {  	s2 =	sld [smem:$0x3FD9]  }
0x89: {  	s3 =	sld [smem:$0x3FFE];
	_ =	sdelay $0x1  }
0x8a: {  	s1 =	srdreg.scid  }
0x8b: {  	s0 =	sand.u32 $0x1, s1  }
0x8c: {  	s17 =	sshll.u32 s0, $0xA;
	s2 =	sadd.s32 s3, s2  }
0x8d: {  	s2 =	sadd.s32 s2, s17  }
0x8e: {  	[smem:$0x3FC2] =	sst s2  }
0x8f: {  	_ = 	snop  }
0x90: {  	s2 =	sld [smem:$0x3FD0];
	(tm) =	ssettm $0x1  }
0x91: {  	s18 =	sld [smem:$0x3FFB];
	_ =	sdelay $0x3  }
0x92: {  	_ =	strace s18  }
0x93: {  	s3 =	sld [smem:$0x3FFC];
	_ =	sdelay $0x3  }
0x94: {  	_ =	strace s3  }
0x95: {  	s3 =	sld [smem:$0x3FFD];
	_ =	sdelay $0x3  }
0x96: {  	_ =	strace s3  }
0x97: {  	_ =	strace $0x8FFFFFFF  }
0x98: {  	s19 =	sld [smem:$0x3FDB];
	_ =	sdelay $0x1  }
0x99: {  	s4 =	simm.s32 $_scs_section_size  }
0x9a: {  	s5 =	simm.s32 $_size__tile_overlayer_lowered;
	s6 =	simm.s32 $_tile_overlayer_lowered  }
0x9b: {  	s22 =	simm.s32 $0x1BFF;
	s21 =	sshll.u32 s6, $0x1;
	s3 =	sadd.s32 s4, s19  }
0x9c: {  	s7 =	simm.s32 $0x0;
	s20 =	sshll.u32 s5, $0x1;
	s5 =	sadd.s32 s21, s3  }
0x9d: {  	[timem:s7], [sflag:s22] =	dma.local [hbm:s5], s20  }
0x9e: {  	_ =	swait.ge [sflag:s22], s20  }
0x9f: {  	s4 =	ssub.s32 $0x0, s20;
	[sflag:s22] =	ssyncset.done $0x0  }
0xa0: {  	[sflag:s22] =	ssyncadd.s32 s4;
	_ =	sdelay $0x1  }
0xa1: {  	s23 =	simm.s32 $0x1B8B  }
0xa2: {  	_ =	swait.ge [sflag:s23], $0x1  }
0xa3: {  	[sflag:s23] =	ssyncset.done $0x0  }
0xa4: {  	s25 =	simm.s32 $0x1B8E;
	s24 =	sld [smem:$0x3FFE];
	[sflag:s23] =	ssyncadd.s32 $0xFFFFFFFF  }
0xa5: {  	s26 =	simm.s32 $execute0_lowered;
	[smem:$0x3FD2] =	sst s25  }
0xa6: {  	s5 =	sshll.u32 s26, $0x1;
	_ =	strace $0x80000049;
	[dreg:$0x1] =	wrdreg $0xFFFFFFFF  }
0xa7: {  	s28 =	simm.s32 $_size_execute0_lowered;
	s3 =	sadd.s32 s3, s5;
	[dreg:$0x0] =	wrdreg $0x0  }
0xa8: {  	s5 =	sshll.u32 s28, $0x1;
	[dreg:$0x2] =	wrdreg s3  }
0xa9: {  	[dreg:$0x3] =	wrdreg s5  }
0xaa: {  	[dreg:$0x4] =	wrdreg $0xC0  }
0xab: {  	_ =	task [dreg:s7], $0x5FFFF  }
0xac: {  	[dreg:$0x1] =	wrdreg $0xFFFFFFFF  }
0xad: {  	[dreg:$0x0] =	wrdreg $0x60  }
0xae: {  	[dreg:$0x2] =	wrdreg s24  }
0xaf: {  	[dreg:$0x3] =	wrdreg s2  }
0xb0: {  	[dreg:$0x4] =	wrdreg $0xA8000  }
0xb1: {  	[dreg:$0x5] =	wrdreg $0x9  }
0xb2: {  	_ =	task.clear_ibuf [dreg:s7], $0x6FFFF;
	_ =	strace $0x90000049  }
0xb3: {  	s29 =	simm.s32 $0x9;
	_ =	strace $0x8000004B  }
0xb4: {  	_ =	swait.ge [sflag:s29], $0x1  }
0xb5: {  	[sflag:s29] =	ssyncadd.s32 $0xFFFFFFFF  }
0xb6: {  	_ =	strace $0x9000004B  }
0xb7: {  	_ =	sfence  }
0xb8: {  	s30 =	sld [smem:$0x0];
	_ =	sdelay $0x2  }
0xb9: {  	s31 =	sshll.u32 s1, $0xD;
	s1 =	sshrl.u32 s1, $0x2  }
0xba: {  	s3 =	sand.u32 $0x4000, s31;
	s1 =	sadd.s32 s1, s30  }
0xbb: {  	s0 =	sor.u32 s3, s0;
	s1 =	sshll.u32 s1, $0x11  }
0xbc: {  	s0 =	sor.u32 s1, s0  }
0xbd: {  	s0 =	sadd.s32 $0x8F2B, s0  }
0xbe: {  	[sflag:s0] =	ssyncadd.remote.s32 $0x1  }
0xbf: {  	_ =	sfence.sel $0xFFFF  }
0xc0: {  	[dreg:$0x0] =	wrdreg $0xFFFFFFFF;
	(pc) =	sbr.abs _section_cstart, $3  }
0xc1: {  	[dreg:$0x1] =	wrdreg $0xFFFFFFFF  }
0xc2: {  	_ =	task.clear_ibuf [dreg:s7], $0x2FFFF;
	_ =	strace $0x9FFFFFFF  }
0xc3: {  	(tm) =	ssettm $0x7FFFFFFF  }
tec
execute0_lowered:
.L_overlay_start_1:
0x0: {  	(tag) =	ssettag $0x1  }
0x1: {  	s5 =	rddreg [dreg:$0x0]  }
0x2: {  	s11 =	rddreg [dreg:$0x1]  }
0x3: {  	s2 =	rddreg [dreg:$0x2]  }
0x4: {  	s0 =	rddreg [dreg:$0x3];
	s3 =	simm.s32 $0x0;
	s1 =	stileid.u32  }
0x5: {  	s4 =	srdreg.scid;
	s15 =	simm.s32 $0x1400;
	s16 =	simm.s32 $0x80  }
0x6: {  	s17 =	simm.s32 $0x2800;
	s18 =	simm.s32 $0x6800;
	s19 =	simm.s32 $0x1  }
0x7: {  	s20 =	simm.s32 $0x2;
	s21 =	simm.s32 $0x1380;
	s22 =	simm.s32 $0x2700  }
0x8: {  	[smem:$0x7FF] =	sst s3;
	s6 =	smul.u32 $0x2780, s1;
	s7 =	sand.u32 $0x1, s4  }
0x9: {  	s4 =	sadd.s32 $0x82800, s5;
	s12 =	sadd.s32 $0x2000, s5;
	s10 =	smul.u32 $0x4F000, s1  }
0xa: {  	s25 =	sshll.u32 s1, $0x1;
	s29 =	sshll.u32 s1, $0x6;
	_ =	strace $0x8000004A  }
0xb: {  	s8 =	smul.u32 $0x27800, s7;
	s23 =	ssub.s32 $0x2, s7;
	s26 =	sor.u32 s7, s25  }
0xc: {  	s9 =	sadd.s32 s6, s5;
	s24 =	sshrl.u32 s23, $0x1;
	s28 =	sshrl.u32 s10, $0x2  }
0xd: {  	s30 =	smul.u32 $0x500, s26;
	s6 =	sadd.s32 s6, s8;
	s8 =	ssub.s32 s23, s24  }
0xe: {  	s14 =	sadd.s32 s28, s2;
	s23 =	simm.s32 $0x2780;
	s24 =	simm.s32 $0x0  }
0xf: {  	s13 =	sadd.s32 s6, s5;
	s5 =	sadd.s32 $0xC000, s9;
	s6 =	sor.u32 $0x1C03, s29  }
0x10: {  	s8 =	smax.u32 s8, $0x1;
	s9 =	sadd.s32 s11, s30;
	s31 =	sadd.s32 $0x280, s30  }
0x11: {  	s10 =	sadd.s32 s12, s30;
	s7 =	sadd.s32 $0xAA000, s13;
	s11 =	sadd.s32 s11, s31  }
0x12: {  	s12 =	sadd.s32 s12, s31;
	s13 =	sshrl.u32 s14, $0x3;
	s14 =	simm.s32 $0x3  }
.LBB2_1:
0x13: {  	[spmem:s13], [sflag:s6] =	dma.local [hbm:s5], $0x2780  }
0x14: {  	_ =	swait.ge [sflag:s14], $0x2780  }
0x15: {  	[sflag:s14] =	ssyncset.done $0x0  }
0x16: {  	[sflag:s14] =	ssyncadd.s32 $0xFFFFD880  }
0x17: {  	[bflag:$0x0] =	sbarrier.arrive $0xFFFF  }
0x18: {  	[tilespmem:s3], [sflag:$0x3] =	stream.linear.gather [hbm4b:s9+s3], $0x1400, $0x38;
	[tilespmem:$0x1E400] =	vst v63  }
0x19: {  	_ =	swait.ge [sflag:s14], $0x1400  }
0x1a: {  	[sflag:s14] =	ssyncset.done $0x0  }
0x1b: {  	[sflag:s14] =	ssyncadd.s32 $0xFFFFEC00  }
0x1c: {  	[tilespmem:s15], [sflag:$0x3] =	stream.linear.gather [hbm4b:s10+s3], $0x1400, $0x38;
	[tilespmem:$0x1E400] =	vst v63  }
0x1d: {  	_ =	swait.ge [sflag:s14], $0x1400  }
0x1e: {  	[sflag:s14] =	ssyncset.done $0x0  }
0x1f: {  	[sflag:s14] =	ssyncadd.s32 $0xFFFFEC00  }
0x20: {  	[tilespmem:s17], [sflag:$0x1] =	stream.indirect.gather [hbm4b:s4+s16], $0x80, s3, s16, $0xb8;
	[tilespmem:$0x1E400] =	vst v63  }
0x21: {  	s25 =	simm.s32 $0x80  }
0x22: {  	[tilespmem:s18], [sflag:$0x2] =	stream.indirect.gather [hbm4b:s4+s16], $0x80, s25, s16, $0xb8;
	[tilespmem:$0x1E400] =	vst v63  }
0x23: {  	_ =	swait.ge [sflag:s19], $0x4000  }
0x24: {  	[sflag:s19] =	ssyncset.done $0x0  }
0x25: {  	s29 =	simm.s32 $0x1400;
	[sflag:s19] =	ssyncadd.s32 $0xFFFFC000  }
0x26: {  	[spmem:s2] =	stream.indirect.scatter.add.f32 [tilespmem:s17], [sflag:$0x3], $0x80, s29, s16, $0xb8;
	[tilespmem:$0x1E400] =	vst v63  }
0x27: {  	_ =	swait.ge [sflag:s14], $0x4000  }
0x28: {  	[sflag:s14] =	ssyncset.done $0x0  }
0x29: {  	s30 =	simm.s32 $0x100;
	[sflag:s14] =	ssyncadd.s32 $0xFFFFC000  }
0x2a: {  	[tilespmem:s17], [sflag:$0x1] =	stream.indirect.gather [hbm4b:s4+s16], $0x80, s30, s16, $0xb8;
	[tilespmem:$0x1E400] =	vst v63  }
0x2b: {  	_ =	swait.ge [sflag:s20], $0x4000  }
0x2c: {  	[sflag:s20] =	ssyncset.done $0x0  }
0x2d: {  	s31 =	simm.s32 $0x1480;
	[sflag:s20] =	ssyncadd.s32 $0xFFFFC000  }
0x2e: {  	[spmem:s2] =	stream.indirect.scatter.add.f32 [tilespmem:s18], [sflag:$0x3], $0x80, s31, s16, $0xb8;
	[tilespmem:$0x1E400] =	vst v63  }
0x2f: {  	_ =	swait.ge [sflag:s14], $0x4000  }
0x30: {  	s26 =	simm.s32 $0x800;
	s25 =	simm.s32 $0x100;
	[sflag:s14] =	ssyncset.done $0x0  }
.LBB2_2:
0x31: {  	s28 =	sadd.s32 $0x80, s25  }
0x32: {  	[sflag:s14] =	ssyncadd.s32 $0xFFFFC000;
	s29 =	smov.u32 s26;
	s30 =	sadd.s32 $0x400, s26  }
0x33: {  	[tilespmem:s18], [sflag:$0x2] =	stream.indirect.gather [hbm4b:s4+s16], $0x80, s28, s16, $0xb8;
	[tilespmem:$0x1E400] =	vst v63  }
0x34: {  	p0 =	sne.s32 s26, $0x4800;
	_ =	swait.ge [sflag:s19], $0x4000  }
0x35: {  	[sflag:s19] =	ssyncset.done $0x0  }
0x36: {  	s26 =	sadd.s32 $0x1400, s25;
	[sflag:s19] =	ssyncadd.s32 $0xFFFFC000  }
0x37: {  	[spmem:s2] =	stream.indirect.scatter.add.f32 [tilespmem:s17], [sflag:$0x3], $0x80, s26, s16, $0xb8;
	[tilespmem:$0x1E400] =	vst v63  }
0x38: {  	_ =	swait.ge [sflag:s14], $0x4000  }
0x39: {  	[sflag:s14] =	ssyncset.done $0x0  }
0x3a: {  	s26 =	sadd.s32 $0x100, s25;
	[sflag:s14] =	ssyncadd.s32 $0xFFFFC000  }
0x3b: {  	[tilespmem:s17], [sflag:$0x1] =	stream.indirect.gather [hbm4b:s4+s16], $0x80, s26, s16, $0xb8;
	[tilespmem:$0x1E400] =	vst v63  }
0x3c: {  	_ =	swait.ge [sflag:s20], $0x4000  }
.Ltmp0:
0x3d: {  	[sflag:s20] =	ssyncset.done $0x0;
	(pc) =	sbr.rel @p0 .LBB2_2-.Ltmp0, $4  }
0x3e: {  	s25 =	sadd.s32 $0x1480, s25;
	[sflag:s20] =	ssyncadd.s32 $0xFFFFC000  }
0x3f: {  	[spmem:s2] =	stream.indirect.scatter.add.f32 [tilespmem:s18], [sflag:$0x3], $0x80, s25, s16, $0xb8;
	[tilespmem:$0x1E400] =	vst v63  }
0x40: {  	_ =	swait.ge [sflag:s14], $0x4000  }
0x41: {  	s26 =	smov.u32 s30;
	s25 =	sshra.s32 s29, $0x2;
	[sflag:s14] =	ssyncset.done $0x0  }
0x42: {  	s26 =	sadd.s32 $0x80, s25;
	[sflag:s14] =	ssyncadd.s32 $0xFFFFC000  }
0x43: {  	[tilespmem:s18], [sflag:$0x2] =	stream.indirect.gather [hbm4b:s4+s16], $0x80, s26, s16, $0xb8;
	[tilespmem:$0x1E400] =	vst v63  }
0x44: {  	_ =	swait.ge [sflag:s19], $0x4000  }
0x45: {  	[sflag:s19] =	ssyncset.done $0x0  }
0x46: {  	s29 =	sadd.s32 $0x1400, s25;
	[sflag:s19] =	ssyncadd.s32 $0xFFFFC000  }
0x47: {  	[spmem:s2] =	stream.indirect.scatter.add.f32 [tilespmem:s17], [sflag:$0x3], $0x80, s29, s16, $0xb8;
	[tilespmem:$0x1E400] =	vst v63  }
0x48: {  	_ =	swait.ge [sflag:s14], $0x4000  }
0x49: {  	[sflag:s14] =	ssyncset.done $0x0  }
0x4a: {  	s30 =	sadd.s32 $0x100, s25;
	[sflag:s14] =	ssyncadd.s32 $0xFFFFC000  }
0x4b: {  	[tilespmem:s17], [sflag:$0x1] =	stream.indirect.gather [hbm4b:s4+s16], $0x80, s30, s16, $0xb8;
	[tilespmem:$0x1E400] =	vst v63  }
0x4c: {  	_ =	swait.ge [sflag:s20], $0x4000  }
0x4d: {  	[sflag:s20] =	ssyncset.done $0x0  }
0x4e: {  	s31 =	sadd.s32 $0x1480, s25;
	[sflag:s20] =	ssyncadd.s32 $0xFFFFC000  }
0x4f: {  	[spmem:s2] =	stream.indirect.scatter.add.f32 [tilespmem:s18], [sflag:$0x3], $0x80, s31, s16, $0xb8;
	[tilespmem:$0x1E400] =	vst v63  }
0x50: {  	_ =	swait.ge [sflag:s14], $0x4000  }
0x51: {  	[sflag:s14] =	ssyncset.done $0x0  }
0x52: {  	[sflag:s14] =	ssyncadd.s32 $0xFFFFC000  }
0x53: {  	[tilespmem:s18], [sflag:$0x2] =	stream.indirect.gather [hbm4b:s4+s16], $0x80, s21, s16, $0xb8;
	[tilespmem:$0x1E400] =	vst v63  }
0x54: {  	_ =	swait.ge [sflag:s19], $0x4000  }
0x55: {  	[sflag:s19] =	ssyncset.done $0x0  }
0x56: {  	[sflag:s19] =	ssyncadd.s32 $0xFFFFC000  }
0x57: {  	[spmem:s2] =	stream.indirect.scatter.add.f32 [tilespmem:s17], [sflag:$0x3], $0x80, s22, s16, $0xb8;
	[tilespmem:$0x1E400] =	vst v63  }
0x58: {  	_ =	swait.ge [sflag:s14], $0x4000  }
0x59: {  	[sflag:s14] =	ssyncset.done $0x0  }
0x5a: {  	[sflag:s14] =	ssyncadd.s32 $0xFFFFC000  }
0x5b: {  	_ =	swait.ge [sflag:s20], $0x4000  }
0x5c: {  	[sflag:s20] =	ssyncset.done $0x0  }
0x5d: {  	[sflag:s20] =	ssyncadd.s32 $0xFFFFC000  }
0x5e: {  	[spmem:s2] =	stream.indirect.scatter.add.f32 [tilespmem:s18], [sflag:$0x3], $0x80, s23, s16, $0xb8;
	[tilespmem:$0x1E400] =	vst v63  }
0x5f: {  	_ =	swait.ge [sflag:s14], $0x4000  }
0x60: {  	[sflag:s14] =	ssyncset.done $0x0  }
0x61: {  	s26 =	simm.s32 $0x0;
	[sflag:s14] =	ssyncadd.s32 $0xFFFFC000  }
0x62: {  	[tilespmem:s26], [sflag:$0x3] =	stream.linear.gather [hbm4b:s11+s26], $0x1400, $0x38;
	[tilespmem:$0x1E400] =	vst v63  }
0x63: {  	_ =	swait.ge [sflag:s14], $0x1400  }
0x64: {  	[sflag:s14] =	ssyncset.done $0x0  }
0x65: {  	[sflag:s14] =	ssyncadd.s32 $0xFFFFEC00  }
0x66: {  	[tilespmem:s15], [sflag:$0x3] =	stream.linear.gather [hbm4b:s12+s26], $0x1400, $0x38;
	[tilespmem:$0x1E400] =	vst v63  }
0x67: {  	_ =	swait.ge [sflag:s14], $0x1400  }
0x68: {  	[sflag:s14] =	ssyncset.done $0x0  }
0x69: {  	[sflag:s14] =	ssyncadd.s32 $0xFFFFEC00  }
0x6a: {  	[tilespmem:s17], [sflag:$0x1] =	stream.indirect.gather [hbm4b:s4+s16], $0x80, s26, s16, $0xb8;
	[tilespmem:$0x1E400] =	vst v63  }
0x6b: {  	s28 =	simm.s32 $0x80  }
0x6c: {  	[tilespmem:s18], [sflag:$0x2] =	stream.indirect.gather [hbm4b:s4+s16], $0x80, s28, s16, $0xb8;
	[tilespmem:$0x1E400] =	vst v63  }
0x6d: {  	_ =	swait.ge [sflag:s19], $0x4000  }
0x6e: {  	[sflag:s19] =	ssyncset.done $0x0  }
0x6f: {  	s29 =	simm.s32 $0x1400;
	[sflag:s19] =	ssyncadd.s32 $0xFFFFC000  }
0x70: {  	[spmem:s2] =	stream.indirect.scatter.add.f32 [tilespmem:s17], [sflag:$0x3], $0x80, s29, s16, $0xb8;
	[tilespmem:$0x1E400] =	vst v63  }
0x71: {  	_ =	swait.ge [sflag:s14], $0x4000  }
0x72: {  	[sflag:s14] =	ssyncset.done $0x0  }
0x73: {  	s30 =	simm.s32 $0x100;
	[sflag:s14] =	ssyncadd.s32 $0xFFFFC000  }
0x74: {  	[tilespmem:s17], [sflag:$0x1] =	stream.indirect.gather [hbm4b:s4+s16], $0x80, s30, s16, $0xb8;
	[tilespmem:$0x1E400] =	vst v63  }
0x75: {  	_ =	swait.ge [sflag:s20], $0x4000  }
0x76: {  	[sflag:s20] =	ssyncset.done $0x0  }
0x77: {  	s31 =	simm.s32 $0x1480;
	[sflag:s20] =	ssyncadd.s32 $0xFFFFC000  }
0x78: {  	[spmem:s2] =	stream.indirect.scatter.add.f32 [tilespmem:s18], [sflag:$0x3], $0x80, s31, s16, $0xb8;
	[tilespmem:$0x1E400] =	vst v63  }
0x79: {  	_ =	swait.ge [sflag:s14], $0x4000  }
0x7a: {  	s25 =	simm.s32 $0x100;
	s26 =	simm.s32 $0x800;
	[sflag:s14] =	ssyncset.done $0x0  }
.LBB2_4:
0x7b: {  	s28 =	sadd.s32 $0x80, s25  }
0x7c: {  	[sflag:s14] =	ssyncadd.s32 $0xFFFFC000;
	s29 =	smov.u32 s26;
	s30 =	sadd.s32 $0x400, s26  }
0x7d: {  	[tilespmem:s18], [sflag:$0x2] =	stream.indirect.gather [hbm4b:s4+s16], $0x80, s28, s16, $0xb8;
	[tilespmem:$0x1E400] =	vst v63  }
0x7e: {  	p0 =	sne.s32 s26, $0x4800;
	_ =	swait.ge [sflag:s19], $0x4000  }
0x7f: {  	[sflag:s19] =	ssyncset.done $0x0  }
0x80: {  	s26 =	sadd.s32 $0x1400, s25;
	[sflag:s19] =	ssyncadd.s32 $0xFFFFC000  }
0x81: {  	[spmem:s2] =	stream.indirect.scatter.add.f32 [tilespmem:s17], [sflag:$0x3], $0x80, s26, s16, $0xb8;
	[tilespmem:$0x1E400] =	vst v63  }
0x82: {  	_ =	swait.ge [sflag:s14], $0x4000  }
0x83: {  	[sflag:s14] =	ssyncset.done $0x0  }
0x84: {  	s26 =	sadd.s32 $0x100, s25;
	[sflag:s14] =	ssyncadd.s32 $0xFFFFC000  }
0x85: {  	[tilespmem:s17], [sflag:$0x1] =	stream.indirect.gather [hbm4b:s4+s16], $0x80, s26, s16, $0xb8;
	[tilespmem:$0x1E400] =	vst v63  }
0x86: {  	_ =	swait.ge [sflag:s20], $0x4000  }
.Ltmp1:
0x87: {  	[sflag:s20] =	ssyncset.done $0x0;
	(pc) =	sbr.rel @p0 .LBB2_4-.Ltmp1, $4  }
0x88: {  	s25 =	sadd.s32 $0x1480, s25;
	[sflag:s20] =	ssyncadd.s32 $0xFFFFC000  }
0x89: {  	[spmem:s2] =	stream.indirect.scatter.add.f32 [tilespmem:s18], [sflag:$0x3], $0x80, s25, s16, $0xb8;
	[tilespmem:$0x1E400] =	vst v63  }
0x8a: {  	_ =	swait.ge [sflag:s14], $0x4000  }
0x8b: {  	s26 =	smov.u32 s30;
	s25 =	sshra.s32 s29, $0x2;
	[sflag:s14] =	ssyncset.done $0x0  }
0x8c: {  	s26 =	sadd.s32 $0x80, s25;
	[sflag:s14] =	ssyncadd.s32 $0xFFFFC000  }
0x8d: {  	[tilespmem:s18], [sflag:$0x2] =	stream.indirect.gather [hbm4b:s4+s16], $0x80, s26, s16, $0xb8;
	[tilespmem:$0x1E400] =	vst v63  }
0x8e: {  	_ =	swait.ge [sflag:s19], $0x4000  }
0x8f: {  	[sflag:s19] =	ssyncset.done $0x0  }
0x90: {  	s29 =	sadd.s32 $0x1400, s25;
	[sflag:s19] =	ssyncadd.s32 $0xFFFFC000  }
0x91: {  	[spmem:s2] =	stream.indirect.scatter.add.f32 [tilespmem:s17], [sflag:$0x3], $0x80, s29, s16, $0xb8;
	[tilespmem:$0x1E400] =	vst v63  }
0x92: {  	_ =	swait.ge [sflag:s14], $0x4000  }
0x93: {  	[sflag:s14] =	ssyncset.done $0x0  }
0x94: {  	s30 =	sadd.s32 $0x100, s25;
	[sflag:s14] =	ssyncadd.s32 $0xFFFFC000  }
0x95: {  	[tilespmem:s17], [sflag:$0x1] =	stream.indirect.gather [hbm4b:s4+s16], $0x80, s30, s16, $0xb8;
	[tilespmem:$0x1E400] =	vst v63  }
0x96: {  	_ =	swait.ge [sflag:s20], $0x4000  }
0x97: {  	[sflag:s20] =	ssyncset.done $0x0  }
0x98: {  	s31 =	sadd.s32 $0x1480, s25;
	[sflag:s20] =	ssyncadd.s32 $0xFFFFC000  }
0x99: {  	[spmem:s2] =	stream.indirect.scatter.add.f32 [tilespmem:s18], [sflag:$0x3], $0x80, s31, s16, $0xb8;
	[tilespmem:$0x1E400] =	vst v63  }
0x9a: {  	_ =	swait.ge [sflag:s14], $0x4000  }
0x9b: {  	[sflag:s14] =	ssyncset.done $0x0  }
0x9c: {  	[sflag:s14] =	ssyncadd.s32 $0xFFFFC000  }
0x9d: {  	[tilespmem:s18], [sflag:$0x2] =	stream.indirect.gather [hbm4b:s4+s16], $0x80, s21, s16, $0xb8;
	[tilespmem:$0x1E400] =	vst v63  }
0x9e: {  	_ =	swait.ge [sflag:s19], $0x4000  }
0x9f: {  	[sflag:s19] =	ssyncset.done $0x0  }
0xa0: {  	[sflag:s19] =	ssyncadd.s32 $0xFFFFC000  }
0xa1: {  	[spmem:s2] =	stream.indirect.scatter.add.f32 [tilespmem:s17], [sflag:$0x3], $0x80, s22, s16, $0xb8;
	[tilespmem:$0x1E400] =	vst v63  }
0xa2: {  	_ =	swait.ge [sflag:s14], $0x4000  }
0xa3: {  	[sflag:s14] =	ssyncset.done $0x0  }
0xa4: {  	[sflag:s14] =	ssyncadd.s32 $0xFFFFC000  }
0xa5: {  	_ =	swait.ge [sflag:s20], $0x4000  }
0xa6: {  	[sflag:s20] =	ssyncset.done $0x0  }
0xa7: {  	[sflag:s20] =	ssyncadd.s32 $0xFFFFC000  }
0xa8: {  	[spmem:s2] =	stream.indirect.scatter.add.f32 [tilespmem:s18], [sflag:$0x3], $0x80, s23, s16, $0xb8;
	[tilespmem:$0x1E400] =	vst v63  }
0xa9: {  	_ =	swait.ge [sflag:s14], $0x4000  }
0xaa: {  	s24 =	sadd.s32 $0x1, s24;
	[sflag:s14] =	ssyncset.done $0x0  }
0xab: {  	p0 =	sne.s32 s24, s8;
	[sflag:s14] =	ssyncadd.s32 $0xFFFFC000  }
.Ltmp2:
0xac: {  	[bflag:$0x0] =	sbarrier.arrive $0xFFFF;
	(pc) =	sbr.rel @p0 .LBB2_1-.Ltmp2, $4  }
0xad: {  	[hbm:s7], [sflag:s6] =	dma.local [spmem:s13], $0x2780  }
0xae: {  	_ =	swait.ge [sflag:s14], $0x2780  }
0xaf: {  	[sflag:s14] =	ssyncset.done $0x0  }
0xb0: {  	[sflag:s14] =	ssyncadd.s32 $0xFFFFD880  }
0xb1: {  	_ =	sfence.sel $0x180000  }
0xb2: {  	[bflag:$0x0] =	sbarrier.arrive $0xFFFF  }
0xb3: {  	p0 =	sne.s32 s1, $0x0;
	_ =	strace $0x9000004A  }
0xb4: {  	s0 =	sadd.s32 @!p0 $0x100000, s0;
	[bflag:$0x2] =	sbarrier.arrive $0xFFFF  }
0xb5: {  	[sflag:s0] =	ssyncadd.tile.s32 @!p0 $0x1;
	_ =	shalt  }
.Lfunc_end2:
_tile_overlayer_lowered:
.L_overlay_start_2:
0xb6: {  	(tag) =	ssettag $0x2  }
0xb7: {  	s0 =	rddreg [dreg:$0x0];
	s2 =	stileid.u32  }
0xb8: {  	s1 =	rddreg [dreg:$0x1];
	p0 =	sne.s32 s2, $0x0  }
0xb9: {  	s3 =	rddreg [dreg:$0x2];
	[bflag:$0x3] =	sbarrier.arrive $0xFFFF;
	s2 =	simm.s32 @!p0 $0x1C03  }
0xba: {  	[timem:s3], [sflag:s2] =	dma.local @!p0 [hbm:s0], s1  }
0xbb: {  	s0 =	simm.s32 @!p0 $0x3  }
0xbc: {  	_ =	swait.ge @!p0 [sflag:s0], s1  }
0xbd: {  	s1 =	ssub.s32 @!p0 $0x0, s1;
	[sflag:s0] =	ssyncset.done @!p0 $0x0  }
0xbe: {  	[sflag:s0] =	ssyncadd.s32 @!p0 s1  }
0xbf: {  	[bflag:$0x3] =	sbarrier.arrive $0xFFFF  }
0xc0: {  	_ =	shalt  }

// kernel: kernel.14.cloned.1.call-start
scs
__scs_entry_jumppad:
0x0: {  	(pc) =	sbr.rel $0x88, $3  }
0x1: {  	(tag) =	ssettag $0x0;
	lr =	simm.s32 $0x1  }
0x2: {  	[smem:$0x3F9B] =	sst lr;
	_ =	strace $0xD0000000  }
0x3: {  	_ = 	snop  }
0x4: {  	_ = 	snop  }
0x5: {  	_ = 	snop  }
0x6: {  	_ = 	snop  }
0x7: {  	_ = 	snop  }
__scs_overlays_trampoline_lowered:
0x8: {  	[smem:$0x3FAA] =	sst s0  }
0x9: {  	[smem:$0x3FAB] =	sst s1  }
0xa: {  	[smem:$0x3FAC] =	sst s2  }
0xb: {  	[smem:$0x3FAD] =	sst s3  }
0xc: {  	[smem:$0x3FAE] =	sst s4  }
0xd: {  	[smem:$0x3FAF] =	sst s5  }
0xe: {  	[smem:$0x3FB0] =	sst s6  }
0xf: {  	[smem:$0x3FB1] =	sst s7  }
0x10: {  	[smem:$0x3FB2] =	sst s8  }
0x11: {  	[smem:$0x3FB3] =	sst s9;
	s0 =	simm.s32 @!p0 $0x0  }
0x12: {  	s1 =	sld [smem:$0x3F99];
	s0 =	simm.s32 @p0 $0x1  }
0x13: {  	[smem:$0x3FB4] =	sst s0;
	s0 =	simm.s32 @!p1 $0x0  }
0x14: {  	s2 =	sld [smem:$0x3F98];
	s0 =	simm.s32 @p1 $0x1  }
0x15: {  	[smem:$0x3FB5] =	sst s0;
	s0 =	simm.s32 @!p2 $0x0  }
0x16: {  	s3 =	sld [smem:$0x3FDB];
	s0 =	simm.s32 @p2 $0x1  }
0x17: {  	s4 =	simm.s32 $0x1BF5;
	[smem:$0x3FB7] =	sst s0  }
0x18: {  	s0 =	sld [smem:$0x3F9A];
	_ =	swait.ge [sflag:s4], $0x0  }
0x19: {  	s7 =	sld [smem:$0x3F9B]  }
0x1a: {  	s8 =	sadd.s32 $0xFFFFE003, lr  }
0x1b: {  	s9 =	sadd.s32 $0xFFFFFEF7, lr;
	s5 =	simm.s32 $0xFFFFFFFF;
	p2 =	slt.u32 s8, $0xFFFFF086  }
0x1c: {  	p1 =	slt.u32 s9, $0xF7A;
	s5 =	simm.s32 @!p2 $0x0  }
0x1d: {  	s5 =	simm.s32 @p1 $0x1;
	p0 =	seq.s32 s7, s2  }
0x1e: {  	s7 =	smul.u32 @!p0 $0xF7A, s2;
	p2 =	seq.s32 @!p0 s5, $0x0  }
0x1f: {  	s9 =	smul.u32 $0xF7A, s1;
	s8 =	simm.s32 @!p0 $0x1BF5;
	p2 =	por !p2, p0  }
0x20: {  	[sflag:s8] =	ssyncset.s32 @!p0 $0xFFFFF086;
	s6 =	sadd.s32 @!p0 s3, s7;
	s7 =	simm.s32 @!p0 $0x108  }
0x21: {  	s3 =	sadd.s32 s3, s9;
	s6 =	sadd.s32 @!p0 $0x88, s6;
	s7 =	simm.s32 @p2 $0x1082  }
0x22: {  	[simem:s7], [sflag:s8] =	dma.local @!p0 [hbm:s6], $0xF7A  }
0x23: {  	s9 =	sor.u32 $0xD0000000, s2;
	s6 =	simm.s32 $0x108;
	_ =	swait.ge @!p0 [sflag:s8], $0x0  }
0x24: {  	s3 =	sadd.s32 $0x88, s3;
	s6 =	simm.s32 @!p1 $0x1082;
	[sflag:s4] =	ssyncset.s32 $0xFFFFF086  }
0x25: {  	[simem:s6], [sflag:s4] =	dma.local [hbm:s3], $0xF7A  }
0x26: {  	[smem:$0x3F9B] =	sst s1;
	(tag) =	ssettag s2;
	_ =	strace s9  }
0x27: {  	s1 =	sld [smem:$0x3FAB]  }
0x28: {  	s2 =	sld [smem:$0x3FAC]  }
0x29: {  	s4 =	sld [smem:$0x3FAE]  }
0x2a: {  	p0 =	seq.s32 s5, $0x0;
	s5 =	sld [smem:$0x3FAF]  }
0x2b: {  	s6 =	sld [smem:$0x3FB0]  }
0x2c: {  	s7 =	sld [smem:$0x3FB1]  }
0x2d: {  	s3 =	simm.s32 $0x108;
	s8 =	sld [smem:$0x3FB2]  }
0x2e: {  	s3 =	simm.s32 @!p0 $0x1082;
	s9 =	sld [smem:$0x3FB3]  }
0x2f: {  	lr =	sadd.s32 s0, s3;
	s0 =	sld [smem:$0x3FAA]  }
0x30: {  	s3 =	sld [smem:$0x3FAD]  }
0x31: {  	[smem:$0x3FB6] =	sst s10  }
0x32: {  	s10 =	sld [smem:$0x3FB4];
	_ =	sdelay $0x3  }
0x33: {  	p0 =	seq.s32 s10, $0x1;
	s10 =	sld [smem:$0x3FB6];
	_ =	sdelay $0x3  }
0x34: {  	[smem:$0x3FB6] =	sst s10  }
0x35: {  	s10 =	sld [smem:$0x3FB5];
	_ =	sdelay $0x3  }
0x36: {  	p1 =	seq.s32 s10, $0x1;
	s10 =	sld [smem:$0x3FB6];
	_ =	sdelay $0x3  }
0x37: {  	[smem:$0x3FB6] =	sst s10  }
0x38: {  	s10 =	sld [smem:$0x3FB7]  }
0x39: {  	_ = 	snop;
	(pc) =	sbr.ind lr, $3  }
0x3a: {  	_ = 	snop  }
0x3b: {  	_ = 	snop  }
0x3c: {  	p2 =	seq.s32 s10, $0x1;
	s10 =	sld [smem:$0x3FB6]  }
0x3d: {  	_ =	shalt  }
0x3e: {  	_ =	shalt  }
0x3f: {  	_ =	shalt  }
0x40: {  	_ =	shalt  }
0x41: {  	_ =	shalt  }
0x42: {  	_ =	shalt  }
0x43: {  	_ =	shalt  }
0x44: {  	_ =	shalt  }
0x45: {  	_ =	shalt  }
0x46: {  	_ =	shalt  }
0x47: {  	_ =	shalt  }
0x48: {  	_ =	shalt  }
0x49: {  	_ =	shalt  }
0x4a: {  	_ =	shalt  }
0x4b: {  	_ =	shalt  }
0x4c: {  	_ =	shalt  }
0x4d: {  	_ =	shalt  }
0x4e: {  	_ =	shalt  }
0x4f: {  	_ =	shalt  }
0x50: {  	_ =	shalt  }
0x51: {  	_ =	shalt  }
0x52: {  	_ =	shalt  }
0x53: {  	_ =	shalt  }
0x54: {  	_ =	shalt  }
0x55: {  	_ =	shalt  }
0x56: {  	_ =	shalt  }
0x57: {  	_ =	shalt  }
0x58: {  	_ =	shalt  }
0x59: {  	_ =	shalt  }
0x5a: {  	_ =	shalt  }
0x5b: {  	_ =	shalt  }
0x5c: {  	_ =	shalt  }
0x5d: {  	_ =	shalt  }
0x5e: {  	_ =	shalt  }
0x5f: {  	_ =	shalt  }
0x60: {  	_ =	shalt  }
0x61: {  	_ =	shalt  }
0x62: {  	_ =	shalt  }
0x63: {  	_ =	shalt  }
0x64: {  	_ =	shalt  }
0x65: {  	_ =	shalt  }
0x66: {  	_ =	shalt  }
0x67: {  	_ =	shalt  }
0x68: {  	_ =	shalt  }
0x69: {  	_ =	shalt  }
0x6a: {  	_ =	shalt  }
0x6b: {  	_ =	shalt  }
0x6c: {  	_ =	shalt  }
0x6d: {  	_ =	shalt  }
0x6e: {  	_ =	shalt  }
0x6f: {  	_ =	shalt  }
0x70: {  	_ =	shalt  }
0x71: {  	_ =	shalt  }
0x72: {  	_ =	shalt  }
0x73: {  	_ =	shalt  }
0x74: {  	_ =	shalt  }
0x75: {  	_ =	shalt  }
0x76: {  	_ =	shalt  }
0x77: {  	_ =	shalt  }
0x78: {  	_ =	shalt  }
0x79: {  	_ =	shalt  }
0x7a: {  	_ =	shalt  }
0x7b: {  	_ =	shalt  }
0x7c: {  	_ =	shalt  }
0x7d: {  	_ =	shalt  }
0x7e: {  	_ =	shalt  }
0x7f: {  	_ =	shalt  }
0x80: {  	_ =	shalt  }
0x81: {  	_ =	shalt  }
0x82: {  	_ =	shalt  }
0x83: {  	_ =	shalt  }
0x84: {  	_ =	shalt  }
0x85: {  	_ =	shalt  }
0x86: {  	_ =	shalt  }
0x87: {  	_ =	shalt  }
.Lfunc_end0:
.L_simem_size_0:
called_computation.2_lowered:
.L_overlay_start_0:
0x88: {  	s2 =	sld [smem:$0x3FD9]  }
0x89: {  	s3 =	sld [smem:$0x3FFE];
	_ =	sdelay $0x1  }
0x8a: {  	s1 =	srdreg.scid  }
0x8b: {  	s0 =	sand.u32 $0x1, s1  }
0x8c: {  	s17 =	sshll.u32 s0, $0xA;
	s2 =	sadd.s32 s3, s2  }
0x8d: {  	s2 =	sadd.s32 s2, s17  }
0x8e: {  	[smem:$0x3FC2] =	sst s2  }
0x8f: {  	_ = 	snop  }
0x90: {  	s2 =	sld [smem:$0x3FD0];
	(tm) =	ssettm $0x1  }
0x91: {  	s18 =	sld [smem:$0x3FFB];
	_ =	sdelay $0x3  }
0x92: {  	_ =	strace s18  }
0x93: {  	s3 =	sld [smem:$0x3FFC];
	_ =	sdelay $0x3  }
0x94: {  	_ =	strace s3  }
0x95: {  	s3 =	sld [smem:$0x3FFD];
	_ =	sdelay $0x3  }
0x96: {  	_ =	strace s3  }
0x97: {  	_ =	strace $0x8FFFFFFF  }
0x98: {  	s19 =	sld [smem:$0x3FDB];
	_ =	sdelay $0x1  }
0x99: {  	s4 =	simm.s32 $_scs_section_size  }
0x9a: {  	s5 =	simm.s32 $_size__tile_overlayer_lowered;
	s6 =	simm.s32 $_tile_overlayer_lowered  }
0x9b: {  	s22 =	simm.s32 $0x1BFF;
	s21 =	sshll.u32 s6, $0x1;
	s3 =	sadd.s32 s4, s19  }
0x9c: {  	s7 =	simm.s32 $0x0;
	s20 =	sshll.u32 s5, $0x1;
	s5 =	sadd.s32 s21, s3  }
0x9d: {  	[timem:s7], [sflag:s22] =	dma.local [hbm:s5], s20  }
0x9e: {  	_ =	swait.ge [sflag:s22], s20  }
0x9f: {  	s4 =	ssub.s32 $0x0, s20;
	[sflag:s22] =	ssyncset.done $0x0  }
0xa0: {  	[sflag:s22] =	ssyncadd.s32 s4;
	_ =	sdelay $0x1  }
0xa1: {  	s23 =	simm.s32 $0x1B8B  }
0xa2: {  	_ =	swait.ge [sflag:s23], $0x1  }
0xa3: {  	[sflag:s23] =	ssyncset.done $0x0  }
0xa4: {  	s25 =	simm.s32 $0x1B8E;
	s24 =	sld [smem:$0x3FFE];
	[sflag:s23] =	ssyncadd.s32 $0xFFFFFFFF  }
0xa5: {  	s26 =	simm.s32 $execute0_lowered;
	[smem:$0x3FD2] =	sst s25  }
0xa6: {  	s5 =	sshll.u32 s26, $0x1;
	_ =	strace $0x8000004C;
	[dreg:$0x1] =	wrdreg $0xFFFFFFFF  }
0xa7: {  	s28 =	simm.s32 $_size_execute0_lowered;
	s3 =	sadd.s32 s3, s5;
	[dreg:$0x0] =	wrdreg $0x0  }
0xa8: {  	s5 =	sshll.u32 s28, $0x1;
	[dreg:$0x2] =	wrdreg s3  }
0xa9: {  	[dreg:$0x3] =	wrdreg s5  }
0xaa: {  	[dreg:$0x4] =	wrdreg $0xC0  }
0xab: {  	_ =	task [dreg:s7], $0x5FFFF  }
0xac: {  	[dreg:$0x1] =	wrdreg $0xFFFFFFFF  }
0xad: {  	[dreg:$0x0] =	wrdreg $0x60  }
0xae: {  	[dreg:$0x2] =	wrdreg s24  }
0xaf: {  	[dreg:$0x3] =	wrdreg s2  }
0xb0: {  	[dreg:$0x4] =	wrdreg $0xA8000  }
0xb1: {  	[dreg:$0x5] =	wrdreg $0x9  }
0xb2: {  	_ =	task.clear_ibuf [dreg:s7], $0x6FFFF;
	_ =	strace $0x9000004C  }
0xb3: {  	s29 =	simm.s32 $0x9;
	_ =	strace $0x8000004E  }
0xb4: {  	_ =	swait.ge [sflag:s29], $0x1  }
0xb5: {  	[sflag:s29] =	ssyncadd.s32 $0xFFFFFFFF  }
0xb6: {  	_ =	strace $0x9000004E  }
0xb7: {  	_ =	sfence  }
0xb8: {  	s30 =	sld [smem:$0x0];
	_ =	sdelay $0x2  }
0xb9: {  	s31 =	sshll.u32 s1, $0xD;
	s1 =	sshrl.u32 s1, $0x2  }
0xba: {  	s3 =	sand.u32 $0x4000, s31;
	s1 =	sadd.s32 s1, s30  }
0xbb: {  	s0 =	sor.u32 s3, s0;
	s1 =	sshll.u32 s1, $0x11  }
0xbc: {  	s0 =	sor.u32 s1, s0  }
0xbd: {  	s0 =	sadd.s32 $0x8F2B, s0  }
0xbe: {  	[sflag:s0] =	ssyncadd.remote.s32 $0x1  }
0xbf: {  	_ =	sfence.sel $0xFFFF  }
0xc0: {  	[dreg:$0x0] =	wrdreg $0xFFFFFFFF;
	(pc) =	sbr.abs _section_cstart, $3  }
0xc1: {  	[dreg:$0x1] =	wrdreg $0xFFFFFFFF  }
0xc2: {  	_ =	task.clear_ibuf [dreg:s7], $0x2FFFF;
	_ =	strace $0x9FFFFFFF  }
0xc3: {  	(tm) =	ssettm $0x7FFFFFFF  }
tec
execute0_lowered:
.L_overlay_start_1:
0x0: {  	(tag) =	ssettag $0x1  }
0x1: {  	s5 =	rddreg [dreg:$0x0]  }
0x2: {  	s11 =	rddreg [dreg:$0x1]  }
0x3: {  	s2 =	rddreg [dreg:$0x2]  }
0x4: {  	s0 =	rddreg [dreg:$0x3];
	s3 =	simm.s32 $0x0;
	s1 =	stileid.u32  }
0x5: {  	s4 =	srdreg.scid;
	s15 =	simm.s32 $0x1400;
	s16 =	simm.s32 $0x80  }
0x6: {  	s17 =	simm.s32 $0x2800;
	s18 =	simm.s32 $0x6800;
	s19 =	simm.s32 $0x1  }
0x7: {  	s20 =	simm.s32 $0x2;
	s21 =	simm.s32 $0x1380;
	s22 =	simm.s32 $0x2700  }
0x8: {  	[smem:$0x7FF] =	sst s3;
	s6 =	smul.u32 $0x2780, s1;
	s7 =	sand.u32 $0x1, s4  }
0x9: {  	s4 =	sadd.s32 $0x82800, s5;
	s12 =	sadd.s32 $0x2000, s5;
	s10 =	smul.u32 $0x4F000, s1  }
0xa: {  	s25 =	sshll.u32 s1, $0x1;
	s29 =	sshll.u32 s1, $0x6;
	_ =	strace $0x8000004D  }
0xb: {  	s8 =	smul.u32 $0x27800, s7;
	s23 =	ssub.s32 $0x2, s7;
	s26 =	sor.u32 s7, s25  }
0xc: {  	s9 =	sadd.s32 s6, s5;
	s24 =	sshrl.u32 s23, $0x1;
	s28 =	sshrl.u32 s10, $0x2  }
0xd: {  	s30 =	smul.u32 $0x500, s26;
	s6 =	sadd.s32 s6, s8;
	s8 =	ssub.s32 s23, s24  }
0xe: {  	s14 =	sadd.s32 s28, s2;
	s23 =	simm.s32 $0x2780;
	s24 =	simm.s32 $0x0  }
0xf: {  	s13 =	sadd.s32 s6, s5;
	s5 =	sadd.s32 $0xC000, s9;
	s6 =	sor.u32 $0x1C03, s29  }
0x10: {  	s8 =	smax.u32 s8, $0x1;
	s9 =	sadd.s32 s11, s30;
	s31 =	sadd.s32 $0x280, s30  }
0x11: {  	s10 =	sadd.s32 s12, s30;
	s7 =	sadd.s32 $0xAA000, s13;
	s11 =	sadd.s32 s11, s31  }
0x12: {  	s12 =	sadd.s32 s12, s31;
	s13 =	sshrl.u32 s14, $0x3;
	s14 =	simm.s32 $0x3  }
.LBB2_1:
0x13: {  	[spmem:s13], [sflag:s6] =	dma.local [hbm:s5], $0x2780  }
0x14: {  	_ =	swait.ge [sflag:s14], $0x2780  }
0x15: {  	[sflag:s14] =	ssyncset.done $0x0  }
0x16: {  	[sflag:s14] =	ssyncadd.s32 $0xFFFFD880  }
0x17: {  	[bflag:$0x0] =	sbarrier.arrive $0xFFFF  }
0x18: {  	[tilespmem:s3], [sflag:$0x3] =	stream.linear.gather [hbm4b:s9+s3], $0x1400, $0x38;
	[tilespmem:$0x1E400] =	vst v63  }
0x19: {  	_ =	swait.ge [sflag:s14], $0x1400  }
0x1a: {  	[sflag:s14] =	ssyncset.done $0x0  }
0x1b: {  	[sflag:s14] =	ssyncadd.s32 $0xFFFFEC00  }
0x1c: {  	[tilespmem:s15], [sflag:$0x3] =	stream.linear.gather [hbm4b:s10+s3], $0x1400, $0x38;
	[tilespmem:$0x1E400] =	vst v63  }
0x1d: {  	_ =	swait.ge [sflag:s14], $0x1400  }
0x1e: {  	[sflag:s14] =	ssyncset.done $0x0  }
0x1f: {  	[sflag:s14] =	ssyncadd.s32 $0xFFFFEC00  }
0x20: {  	[tilespmem:s17], [sflag:$0x1] =	stream.indirect.gather [hbm4b:s4+s16], $0x80, s3, s16, $0xb8;
	[tilespmem:$0x1E400] =	vst v63  }
0x21: {  	s25 =	simm.s32 $0x80  }
0x22: {  	[tilespmem:s18], [sflag:$0x2] =	stream.indirect.gather [hbm4b:s4+s16], $0x80, s25, s16, $0xb8;
	[tilespmem:$0x1E400] =	vst v63  }
0x23: {  	_ =	swait.ge [sflag:s19], $0x4000  }
0x24: {  	[sflag:s19] =	ssyncset.done $0x0  }
0x25: {  	s29 =	simm.s32 $0x1400;
	[sflag:s19] =	ssyncadd.s32 $0xFFFFC000  }
0x26: {  	[spmem:s2] =	stream.indirect.scatter.add.f32 [tilespmem:s17], [sflag:$0x3], $0x80, s29, s16, $0xb8;
	[tilespmem:$0x1E400] =	vst v63  }
0x27: {  	_ =	swait.ge [sflag:s14], $0x4000  }
0x28: {  	[sflag:s14] =	ssyncset.done $0x0  }
0x29: {  	s30 =	simm.s32 $0x100;
	[sflag:s14] =	ssyncadd.s32 $0xFFFFC000  }
0x2a: {  	[tilespmem:s17], [sflag:$0x1] =	stream.indirect.gather [hbm4b:s4+s16], $0x80, s30, s16, $0xb8;
	[tilespmem:$0x1E400] =	vst v63  }
0x2b: {  	_ =	swait.ge [sflag:s20], $0x4000  }
0x2c: {  	[sflag:s20] =	ssyncset.done $0x0  }
0x2d: {  	s31 =	simm.s32 $0x1480;
	[sflag:s20] =	ssyncadd.s32 $0xFFFFC000  }
0x2e: {  	[spmem:s2] =	stream.indirect.scatter.add.f32 [tilespmem:s18], [sflag:$0x3], $0x80, s31, s16, $0xb8;
	[tilespmem:$0x1E400] =	vst v63  }
0x2f: {  	_ =	swait.ge [sflag:s14], $0x4000  }
0x30: {  	s26 =	simm.s32 $0x800;
	s25 =	simm.s32 $0x100;
	[sflag:s14] =	ssyncset.done $0x0  }
.LBB2_2:
0x31: {  	s28 =	sadd.s32 $0x80, s25  }
0x32: {  	[sflag:s14] =	ssyncadd.s32 $0xFFFFC000;
	s29 =	smov.u32 s26;
	s30 =	sadd.s32 $0x400, s26  }
0x33: {  	[tilespmem:s18], [sflag:$0x2] =	stream.indirect.gather [hbm4b:s4+s16], $0x80, s28, s16, $0xb8;
	[tilespmem:$0x1E400] =	vst v63  }
0x34: {  	p0 =	sne.s32 s26, $0x4800;
	_ =	swait.ge [sflag:s19], $0x4000  }
0x35: {  	[sflag:s19] =	ssyncset.done $0x0  }
0x36: {  	s26 =	sadd.s32 $0x1400, s25;
	[sflag:s19] =	ssyncadd.s32 $0xFFFFC000  }
0x37: {  	[spmem:s2] =	stream.indirect.scatter.add.f32 [tilespmem:s17], [sflag:$0x3], $0x80, s26, s16, $0xb8;
	[tilespmem:$0x1E400] =	vst v63  }
0x38: {  	_ =	swait.ge [sflag:s14], $0x4000  }
0x39: {  	[sflag:s14] =	ssyncset.done $0x0  }
0x3a: {  	s26 =	sadd.s32 $0x100, s25;
	[sflag:s14] =	ssyncadd.s32 $0xFFFFC000  }
0x3b: {  	[tilespmem:s17], [sflag:$0x1] =	stream.indirect.gather [hbm4b:s4+s16], $0x80, s26, s16, $0xb8;
	[tilespmem:$0x1E400] =	vst v63  }
0x3c: {  	_ =	swait.ge [sflag:s20], $0x4000  }
.Ltmp0:
0x3d: {  	[sflag:s20] =	ssyncset.done $0x0;
	(pc) =	sbr.rel @p0 .LBB2_2-.Ltmp0, $4  }
0x3e: {  	s25 =	sadd.s32 $0x1480, s25;
	[sflag:s20] =	ssyncadd.s32 $0xFFFFC000  }
0x3f: {  	[spmem:s2] =	stream.indirect.scatter.add.f32 [tilespmem:s18], [sflag:$0x3], $0x80, s25, s16, $0xb8;
	[tilespmem:$0x1E400] =	vst v63  }
0x40: {  	_ =	swait.ge [sflag:s14], $0x4000  }
0x41: {  	s26 =	smov.u32 s30;
	s25 =	sshra.s32 s29, $0x2;
	[sflag:s14] =	ssyncset.done $0x0  }
0x42: {  	s26 =	sadd.s32 $0x80, s25;
	[sflag:s14] =	ssyncadd.s32 $0xFFFFC000  }
0x43: {  	[tilespmem:s18], [sflag:$0x2] =	stream.indirect.gather [hbm4b:s4+s16], $0x80, s26, s16, $0xb8;
	[tilespmem:$0x1E400] =	vst v63  }
0x44: {  	_ =	swait.ge [sflag:s19], $0x4000  }
0x45: {  	[sflag:s19] =	ssyncset.done $0x0  }
0x46: {  	s29 =	sadd.s32 $0x1400, s25;
	[sflag:s19] =	ssyncadd.s32 $0xFFFFC000  }
0x47: {  	[spmem:s2] =	stream.indirect.scatter.add.f32 [tilespmem:s17], [sflag:$0x3], $0x80, s29, s16, $0xb8;
	[tilespmem:$0x1E400] =	vst v63  }
0x48: {  	_ =	swait.ge [sflag:s14], $0x4000  }
0x49: {  	[sflag:s14] =	ssyncset.done $0x0  }
0x4a: {  	s30 =	sadd.s32 $0x100, s25;
	[sflag:s14] =	ssyncadd.s32 $0xFFFFC000  }
0x4b: {  	[tilespmem:s17], [sflag:$0x1] =	stream.indirect.gather [hbm4b:s4+s16], $0x80, s30, s16, $0xb8;
	[tilespmem:$0x1E400] =	vst v63  }
0x4c: {  	_ =	swait.ge [sflag:s20], $0x4000  }
0x4d: {  	[sflag:s20] =	ssyncset.done $0x0  }
0x4e: {  	s31 =	sadd.s32 $0x1480, s25;
	[sflag:s20] =	ssyncadd.s32 $0xFFFFC000  }
0x4f: {  	[spmem:s2] =	stream.indirect.scatter.add.f32 [tilespmem:s18], [sflag:$0x3], $0x80, s31, s16, $0xb8;
	[tilespmem:$0x1E400] =	vst v63  }
0x50: {  	_ =	swait.ge [sflag:s14], $0x4000  }
0x51: {  	[sflag:s14] =	ssyncset.done $0x0  }
0x52: {  	[sflag:s14] =	ssyncadd.s32 $0xFFFFC000  }
0x53: {  	[tilespmem:s18], [sflag:$0x2] =	stream.indirect.gather [hbm4b:s4+s16], $0x80, s21, s16, $0xb8;
	[tilespmem:$0x1E400] =	vst v63  }
0x54: {  	_ =	swait.ge [sflag:s19], $0x4000  }
0x55: {  	[sflag:s19] =	ssyncset.done $0x0  }
0x56: {  	[sflag:s19] =	ssyncadd.s32 $0xFFFFC000  }
0x57: {  	[spmem:s2] =	stream.indirect.scatter.add.f32 [tilespmem:s17], [sflag:$0x3], $0x80, s22, s16, $0xb8;
	[tilespmem:$0x1E400] =	vst v63  }
0x58: {  	_ =	swait.ge [sflag:s14], $0x4000  }
0x59: {  	[sflag:s14] =	ssyncset.done $0x0  }
0x5a: {  	[sflag:s14] =	ssyncadd.s32 $0xFFFFC000  }
0x5b: {  	_ =	swait.ge [sflag:s20], $0x4000  }
0x5c: {  	[sflag:s20] =	ssyncset.done $0x0  }
0x5d: {  	[sflag:s20] =	ssyncadd.s32 $0xFFFFC000  }
0x5e: {  	[spmem:s2] =	stream.indirect.scatter.add.f32 [tilespmem:s18], [sflag:$0x3], $0x80, s23, s16, $0xb8;
	[tilespmem:$0x1E400] =	vst v63  }
0x5f: {  	_ =	swait.ge [sflag:s14], $0x4000  }
0x60: {  	[sflag:s14] =	ssyncset.done $0x0  }
0x61: {  	s26 =	simm.s32 $0x0;
	[sflag:s14] =	ssyncadd.s32 $0xFFFFC000  }
0x62: {  	[tilespmem:s26], [sflag:$0x3] =	stream.linear.gather [hbm4b:s11+s26], $0x1400, $0x38;
	[tilespmem:$0x1E400] =	vst v63  }
0x63: {  	_ =	swait.ge [sflag:s14], $0x1400  }
0x64: {  	[sflag:s14] =	ssyncset.done $0x0  }
0x65: {  	[sflag:s14] =	ssyncadd.s32 $0xFFFFEC00  }
0x66: {  	[tilespmem:s15], [sflag:$0x3] =	stream.linear.gather [hbm4b:s12+s26], $0x1400, $0x38;
	[tilespmem:$0x1E400] =	vst v63  }
0x67: {  	_ =	swait.ge [sflag:s14], $0x1400  }
0x68: {  	[sflag:s14] =	ssyncset.done $0x0  }
0x69: {  	[sflag:s14] =	ssyncadd.s32 $0xFFFFEC00  }
0x6a: {  	[tilespmem:s17], [sflag:$0x1] =	stream.indirect.gather [hbm4b:s4+s16], $0x80, s26, s16, $0xb8;
	[tilespmem:$0x1E400] =	vst v63  }
0x6b: {  	s28 =	simm.s32 $0x80  }
0x6c: {  	[tilespmem:s18], [sflag:$0x2] =	stream.indirect.gather [hbm4b:s4+s16], $0x80, s28, s16, $0xb8;
	[tilespmem:$0x1E400] =	vst v63  }
0x6d: {  	_ =	swait.ge [sflag:s19], $0x4000  }
0x6e: {  	[sflag:s19] =	ssyncset.done $0x0  }
0x6f: {  	s29 =	simm.s32 $0x1400;
	[sflag:s19] =	ssyncadd.s32 $0xFFFFC000  }
0x70: {  	[spmem:s2] =	stream.indirect.scatter.add.f32 [tilespmem:s17], [sflag:$0x3], $0x80, s29, s16, $0xb8;
	[tilespmem:$0x1E400] =	vst v63  }
0x71: {  	_ =	swait.ge [sflag:s14], $0x4000  }
0x72: {  	[sflag:s14] =	ssyncset.done $0x0  }
0x73: {  	s30 =	simm.s32 $0x100;
	[sflag:s14] =	ssyncadd.s32 $0xFFFFC000  }
0x74: {  	[tilespmem:s17], [sflag:$0x1] =	stream.indirect.gather [hbm4b:s4+s16], $0x80, s30, s16, $0xb8;
	[tilespmem:$0x1E400] =	vst v63  }
0x75: {  	_ =	swait.ge [sflag:s20], $0x4000  }
0x76: {  	[sflag:s20] =	ssyncset.done $0x0  }
0x77: {  	s31 =	simm.s32 $0x1480;
	[sflag:s20] =	ssyncadd.s32 $0xFFFFC000  }
0x78: {  	[spmem:s2] =	stream.indirect.scatter.add.f32 [tilespmem:s18], [sflag:$0x3], $0x80, s31, s16, $0xb8;
	[tilespmem:$0x1E400] =	vst v63  }
0x79: {  	_ =	swait.ge [sflag:s14], $0x4000  }
0x7a: {  	s25 =	simm.s32 $0x100;
	s26 =	simm.s32 $0x800;
	[sflag:s14] =	ssyncset.done $0x0  }
.LBB2_4:
0x7b: {  	s28 =	sadd.s32 $0x80, s25  }
0x7c: {  	[sflag:s14] =	ssyncadd.s32 $0xFFFFC000;
	s29 =	smov.u32 s26;
	s30 =	sadd.s32 $0x400, s26  }
0x7d: {  	[tilespmem:s18], [sflag:$0x2] =	stream.indirect.gather [hbm4b:s4+s16], $0x80, s28, s16, $0xb8;
	[tilespmem:$0x1E400] =	vst v63  }
0x7e: {  	p0 =	sne.s32 s26, $0x4800;
	_ =	swait.ge [sflag:s19], $0x4000  }
0x7f: {  	[sflag:s19] =	ssyncset.done $0x0  }
0x80: {  	s26 =	sadd.s32 $0x1400, s25;
	[sflag:s19] =	ssyncadd.s32 $0xFFFFC000  }
0x81: {  	[spmem:s2] =	stream.indirect.scatter.add.f32 [tilespmem:s17], [sflag:$0x3], $0x80, s26, s16, $0xb8;
	[tilespmem:$0x1E400] =	vst v63  }
0x82: {  	_ =	swait.ge [sflag:s14], $0x4000  }
0x83: {  	[sflag:s14] =	ssyncset.done $0x0  }
0x84: {  	s26 =	sadd.s32 $0x100, s25;
	[sflag:s14] =	ssyncadd.s32 $0xFFFFC000  }
0x85: {  	[tilespmem:s17], [sflag:$0x1] =	stream.indirect.gather [hbm4b:s4+s16], $0x80, s26, s16, $0xb8;
	[tilespmem:$0x1E400] =	vst v63  }
0x86: {  	_ =	swait.ge [sflag:s20], $0x4000  }
.Ltmp1:
0x87: {  	[sflag:s20] =	ssyncset.done $0x0;
	(pc) =	sbr.rel @p0 .LBB2_4-.Ltmp1, $4  }
0x88: {  	s25 =	sadd.s32 $0x1480, s25;
	[sflag:s20] =	ssyncadd.s32 $0xFFFFC000  }
0x89: {  	[spmem:s2] =	stream.indirect.scatter.add.f32 [tilespmem:s18], [sflag:$0x3], $0x80, s25, s16, $0xb8;
	[tilespmem:$0x1E400] =	vst v63  }
0x8a: {  	_ =	swait.ge [sflag:s14], $0x4000  }
0x8b: {  	s26 =	smov.u32 s30;
	s25 =	sshra.s32 s29, $0x2;
	[sflag:s14] =	ssyncset.done $0x0  }
0x8c: {  	s26 =	sadd.s32 $0x80, s25;
	[sflag:s14] =	ssyncadd.s32 $0xFFFFC000  }
0x8d: {  	[tilespmem:s18], [sflag:$0x2] =	stream.indirect.gather [hbm4b:s4+s16], $0x80, s26, s16, $0xb8;
	[tilespmem:$0x1E400] =	vst v63  }
0x8e: {  	_ =	swait.ge [sflag:s19], $0x4000  }
0x8f: {  	[sflag:s19] =	ssyncset.done $0x0  }
0x90: {  	s29 =	sadd.s32 $0x1400, s25;
	[sflag:s19] =	ssyncadd.s32 $0xFFFFC000  }
0x91: {  	[spmem:s2] =	stream.indirect.scatter.add.f32 [tilespmem:s17], [sflag:$0x3], $0x80, s29, s16, $0xb8;
	[tilespmem:$0x1E400] =	vst v63  }
0x92: {  	_ =	swait.ge [sflag:s14], $0x4000  }
0x93: {  	[sflag:s14] =	ssyncset.done $0x0  }
0x94: {  	s30 =	sadd.s32 $0x100, s25;
	[sflag:s14] =	ssyncadd.s32 $0xFFFFC000  }
0x95: {  	[tilespmem:s17], [sflag:$0x1] =	stream.indirect.gather [hbm4b:s4+s16], $0x80, s30, s16, $0xb8;
	[tilespmem:$0x1E400] =	vst v63  }
0x96: {  	_ =	swait.ge [sflag:s20], $0x4000  }
0x97: {  	[sflag:s20] =	ssyncset.done $0x0  }
0x98: {  	s31 =	sadd.s32 $0x1480, s25;
	[sflag:s20] =	ssyncadd.s32 $0xFFFFC000  }
0x99: {  	[spmem:s2] =	stream.indirect.scatter.add.f32 [tilespmem:s18], [sflag:$0x3], $0x80, s31, s16, $0xb8;
	[tilespmem:$0x1E400] =	vst v63  }
0x9a: {  	_ =	swait.ge [sflag:s14], $0x4000  }
0x9b: {  	[sflag:s14] =	ssyncset.done $0x0  }
0x9c: {  	[sflag:s14] =	ssyncadd.s32 $0xFFFFC000  }
0x9d: {  	[tilespmem:s18], [sflag:$0x2] =	stream.indirect.gather [hbm4b:s4+s16], $0x80, s21, s16, $0xb8;
	[tilespmem:$0x1E400] =	vst v63  }
0x9e: {  	_ =	swait.ge [sflag:s19], $0x4000  }
0x9f: {  	[sflag:s19] =	ssyncset.done $0x0  }
0xa0: {  	[sflag:s19] =	ssyncadd.s32 $0xFFFFC000  }
0xa1: {  	[spmem:s2] =	stream.indirect.scatter.add.f32 [tilespmem:s17], [sflag:$0x3], $0x80, s22, s16, $0xb8;
	[tilespmem:$0x1E400] =	vst v63  }
0xa2: {  	_ =	swait.ge [sflag:s14], $0x4000  }
0xa3: {  	[sflag:s14] =	ssyncset.done $0x0  }
0xa4: {  	[sflag:s14] =	ssyncadd.s32 $0xFFFFC000  }
0xa5: {  	_ =	swait.ge [sflag:s20], $0x4000  }
0xa6: {  	[sflag:s20] =	ssyncset.done $0x0  }
0xa7: {  	[sflag:s20] =	ssyncadd.s32 $0xFFFFC000  }
0xa8: {  	[spmem:s2] =	stream.indirect.scatter.add.f32 [tilespmem:s18], [sflag:$0x3], $0x80, s23, s16, $0xb8;
	[tilespmem:$0x1E400] =	vst v63  }
0xa9: {  	_ =	swait.ge [sflag:s14], $0x4000  }
0xaa: {  	s24 =	sadd.s32 $0x1, s24;
	[sflag:s14] =	ssyncset.done $0x0  }
0xab: {  	p0 =	sne.s32 s24, s8;
	[sflag:s14] =	ssyncadd.s32 $0xFFFFC000  }
.Ltmp2:
0xac: {  	[bflag:$0x0] =	sbarrier.arrive $0xFFFF;
	(pc) =	sbr.rel @p0 .LBB2_1-.Ltmp2, $4  }
0xad: {  	[hbm:s7], [sflag:s6] =	dma.local [spmem:s13], $0x2780  }
0xae: {  	_ =	swait.ge [sflag:s14], $0x2780  }
0xaf: {  	[sflag:s14] =	ssyncset.done $0x0  }
0xb0: {  	[sflag:s14] =	ssyncadd.s32 $0xFFFFD880  }
0xb1: {  	_ =	sfence.sel $0x180000  }
0xb2: {  	[bflag:$0x0] =	sbarrier.arrive $0xFFFF  }
0xb3: {  	p0 =	sne.s32 s1, $0x0;
	_ =	strace $0x9000004D  }
0xb4: {  	s0 =	sadd.s32 @!p0 $0x100000, s0;
	[bflag:$0x2] =	sbarrier.arrive $0xFFFF  }
0xb5: {  	[sflag:s0] =	ssyncadd.tile.s32 @!p0 $0x1;
	_ =	shalt  }
.Lfunc_end2:
_tile_overlayer_lowered:
.L_overlay_start_2:
0xb6: {  	(tag) =	ssettag $0x2  }
0xb7: {  	s0 =	rddreg [dreg:$0x0];
	s2 =	stileid.u32  }
0xb8: {  	s1 =	rddreg [dreg:$0x1];
	p0 =	sne.s32 s2, $0x0  }
0xb9: {  	s3 =	rddreg [dreg:$0x2];
	[bflag:$0x3] =	sbarrier.arrive $0xFFFF;
	s2 =	simm.s32 @!p0 $0x1C03  }
0xba: {  	[timem:s3], [sflag:s2] =	dma.local @!p0 [hbm:s0], s1  }
0xbb: {  	s0 =	simm.s32 @!p0 $0x3  }
0xbc: {  	_ =	swait.ge @!p0 [sflag:s0], s1  }
0xbd: {  	s1 =	ssub.s32 @!p0 $0x0, s1;
	[sflag:s0] =	ssyncset.done @!p0 $0x0  }
0xbe: {  	[sflag:s0] =	ssyncadd.s32 @!p0 s1  }
0xbf: {  	[bflag:$0x3] =	sbarrier.arrive $0xFFFF  }
0xc0: {  	_ =	shalt  }

// kernel: kernel.8.cloned.1.call-start
scs
__scs_entry_jumppad:
0x0: {  	(pc) =	sbr.rel $0x88, $3  }
0x1: {  	(tag) =	ssettag $0x0;
	lr =	simm.s32 $0x1  }
0x2: {  	[smem:$0x3F9B] =	sst lr;
	_ =	strace $0xD0000000  }
0x3: {  	_ = 	snop  }
0x4: {  	_ = 	snop  }
0x5: {  	_ = 	snop  }
0x6: {  	_ = 	snop  }
0x7: {  	_ = 	snop  }
__scs_overlays_trampoline_lowered:
0x8: {  	[smem:$0x3FAA] =	sst s0  }
0x9: {  	[smem:$0x3FAB] =	sst s1  }
0xa: {  	[smem:$0x3FAC] =	sst s2  }
0xb: {  	[smem:$0x3FAD] =	sst s3  }
0xc: {  	[smem:$0x3FAE] =	sst s4  }
0xd: {  	[smem:$0x3FAF] =	sst s5  }
0xe: {  	[smem:$0x3FB0] =	sst s6  }
0xf: {  	[smem:$0x3FB1] =	sst s7  }
0x10: {  	[smem:$0x3FB2] =	sst s8  }
0x11: {  	[smem:$0x3FB3] =	sst s9;
	s0 =	simm.s32 @!p0 $0x0  }
0x12: {  	s1 =	sld [smem:$0x3F99];
	s0 =	simm.s32 @p0 $0x1  }
0x13: {  	[smem:$0x3FB4] =	sst s0;
	s0 =	simm.s32 @!p1 $0x0  }
0x14: {  	s2 =	sld [smem:$0x3F98];
	s0 =	simm.s32 @p1 $0x1  }
0x15: {  	[smem:$0x3FB5] =	sst s0;
	s0 =	simm.s32 @!p2 $0x0  }
0x16: {  	s3 =	sld [smem:$0x3FDB];
	s0 =	simm.s32 @p2 $0x1  }
0x17: {  	s4 =	simm.s32 $0x1BF5;
	[smem:$0x3FB7] =	sst s0  }
0x18: {  	s0 =	sld [smem:$0x3F9A];
	_ =	swait.ge [sflag:s4], $0x0  }
0x19: {  	s7 =	sld [smem:$0x3F9B]  }
0x1a: {  	s8 =	sadd.s32 $0xFFFFE003, lr  }
0x1b: {  	s9 =	sadd.s32 $0xFFFFFEF7, lr;
	s5 =	simm.s32 $0xFFFFFFFF;
	p2 =	slt.u32 s8, $0xFFFFF086  }
0x1c: {  	p1 =	slt.u32 s9, $0xF7A;
	s5 =	simm.s32 @!p2 $0x0  }
0x1d: {  	s5 =	simm.s32 @p1 $0x1;
	p0 =	seq.s32 s7, s2  }
0x1e: {  	s7 =	smul.u32 @!p0 $0xF7A, s2;
	p2 =	seq.s32 @!p0 s5, $0x0  }
0x1f: {  	s9 =	smul.u32 $0xF7A, s1;
	s8 =	simm.s32 @!p0 $0x1BF5;
	p2 =	por !p2, p0  }
0x20: {  	[sflag:s8] =	ssyncset.s32 @!p0 $0xFFFFF086;
	s6 =	sadd.s32 @!p0 s3, s7;
	s7 =	simm.s32 @!p0 $0x108  }
0x21: {  	s3 =	sadd.s32 s3, s9;
	s6 =	sadd.s32 @!p0 $0x88, s6;
	s7 =	simm.s32 @p2 $0x1082  }
0x22: {  	[simem:s7], [sflag:s8] =	dma.local @!p0 [hbm:s6], $0xF7A  }
0x23: {  	s9 =	sor.u32 $0xD0000000, s2;
	s6 =	simm.s32 $0x108;
	_ =	swait.ge @!p0 [sflag:s8], $0x0  }
0x24: {  	s3 =	sadd.s32 $0x88, s3;
	s6 =	simm.s32 @!p1 $0x1082;
	[sflag:s4] =	ssyncset.s32 $0xFFFFF086  }
0x25: {  	[simem:s6], [sflag:s4] =	dma.local [hbm:s3], $0xF7A  }
0x26: {  	[smem:$0x3F9B] =	sst s1;
	(tag) =	ssettag s2;
	_ =	strace s9  }
0x27: {  	s1 =	sld [smem:$0x3FAB]  }
0x28: {  	s2 =	sld [smem:$0x3FAC]  }
0x29: {  	s4 =	sld [smem:$0x3FAE]  }
0x2a: {  	p0 =	seq.s32 s5, $0x0;
	s5 =	sld [smem:$0x3FAF]  }
0x2b: {  	s6 =	sld [smem:$0x3FB0]  }
0x2c: {  	s7 =	sld [smem:$0x3FB1]  }
0x2d: {  	s3 =	simm.s32 $0x108;
	s8 =	sld [smem:$0x3FB2]  }
0x2e: {  	s3 =	simm.s32 @!p0 $0x1082;
	s9 =	sld [smem:$0x3FB3]  }
0x2f: {  	lr =	sadd.s32 s0, s3;
	s0 =	sld [smem:$0x3FAA]  }
0x30: {  	s3 =	sld [smem:$0x3FAD]  }
0x31: {  	[smem:$0x3FB6] =	sst s10  }
0x32: {  	s10 =	sld [smem:$0x3FB4];
	_ =	sdelay $0x3  }
0x33: {  	p0 =	seq.s32 s10, $0x1;
	s10 =	sld [smem:$0x3FB6];
	_ =	sdelay $0x3  }
0x34: {  	[smem:$0x3FB6] =	sst s10  }
0x35: {  	s10 =	sld [smem:$0x3FB5];
	_ =	sdelay $0x3  }
0x36: {  	p1 =	seq.s32 s10, $0x1;
	s10 =	sld [smem:$0x3FB6];
	_ =	sdelay $0x3  }
0x37: {  	[smem:$0x3FB6] =	sst s10  }
0x38: {  	s10 =	sld [smem:$0x3FB7]  }
0x39: {  	_ = 	snop;
	(pc) =	sbr.ind lr, $3  }
0x3a: {  	_ = 	snop  }
0x3b: {  	_ = 	snop  }
0x3c: {  	p2 =	seq.s32 s10, $0x1;
	s10 =	sld [smem:$0x3FB6]  }
0x3d: {  	_ =	shalt  }
0x3e: {  	_ =	shalt  }
0x3f: {  	_ =	shalt  }
0x40: {  	_ =	shalt  }
0x41: {  	_ =	shalt  }
0x42: {  	_ =	shalt  }
0x43: {  	_ =	shalt  }
0x44: {  	_ =	shalt  }
0x45: {  	_ =	shalt  }
0x46: {  	_ =	shalt  }
0x47: {  	_ =	shalt  }
0x48: {  	_ =	shalt  }
0x49: {  	_ =	shalt  }
0x4a: {  	_ =	shalt  }
0x4b: {  	_ =	shalt  }
0x4c: {  	_ =	shalt  }
0x4d: {  	_ =	shalt  }
0x4e: {  	_ =	shalt  }
0x4f: {  	_ =	shalt  }
0x50: {  	_ =	shalt  }
0x51: {  	_ =	shalt  }
0x52: {  	_ =	shalt  }
0x53: {  	_ =	shalt  }
0x54: {  	_ =	shalt  }
0x55: {  	_ =	shalt  }
0x56: {  	_ =	shalt  }
0x57: {  	_ =	shalt  }
0x58: {  	_ =	shalt  }
0x59: {  	_ =	shalt  }
0x5a: {  	_ =	shalt  }
0x5b: {  	_ =	shalt  }
0x5c: {  	_ =	shalt  }
0x5d: {  	_ =	shalt  }
0x5e: {  	_ =	shalt  }
0x5f: {  	_ =	shalt  }
0x60: {  	_ =	shalt  }
0x61: {  	_ =	shalt  }
0x62: {  	_ =	shalt  }
0x63: {  	_ =	shalt  }
0x64: {  	_ =	shalt  }
0x65: {  	_ =	shalt  }
0x66: {  	_ =	shalt  }
0x67: {  	_ =	shalt  }
0x68: {  	_ =	shalt  }
0x69: {  	_ =	shalt  }
0x6a: {  	_ =	shalt  }
0x6b: {  	_ =	shalt  }
0x6c: {  	_ =	shalt  }
0x6d: {  	_ =	shalt  }
0x6e: {  	_ =	shalt  }
0x6f: {  	_ =	shalt  }
0x70: {  	_ =	shalt  }
0x71: {  	_ =	shalt  }
0x72: {  	_ =	shalt  }
0x73: {  	_ =	shalt  }
0x74: {  	_ =	shalt  }
0x75: {  	_ =	shalt  }
0x76: {  	_ =	shalt  }
0x77: {  	_ =	shalt  }
0x78: {  	_ =	shalt  }
0x79: {  	_ =	shalt  }
0x7a: {  	_ =	shalt  }
0x7b: {  	_ =	shalt  }
0x7c: {  	_ =	shalt  }
0x7d: {  	_ =	shalt  }
0x7e: {  	_ =	shalt  }
0x7f: {  	_ =	shalt  }
0x80: {  	_ =	shalt  }
0x81: {  	_ =	shalt  }
0x82: {  	_ =	shalt  }
0x83: {  	_ =	shalt  }
0x84: {  	_ =	shalt  }
0x85: {  	_ =	shalt  }
0x86: {  	_ =	shalt  }
0x87: {  	_ =	shalt  }
.Lfunc_end0:
.L_simem_size_0:
called_computation_lowered:
.L_overlay_start_0:
0x88: {  	s2 =	sld [smem:$0x3FD9]  }
0x89: {  	s3 =	sld [smem:$0x3FFE];
	_ =	sdelay $0x1  }
0x8a: {  	s1 =	srdreg.scid  }
0x8b: {  	s0 =	sand.u32 $0x1, s1  }
0x8c: {  	s16 =	sshll.u32 s0, $0xA;
	s2 =	sadd.s32 s3, s2  }
0x8d: {  	s2 =	sadd.s32 s2, s16  }
0x8e: {  	[smem:$0x3FC2] =	sst s2  }
0x8f: {  	_ = 	snop  }
0x90: {  	(tm) =	ssettm $0x1  }
0x91: {  	s17 =	sld [smem:$0x3FFB];
	_ =	sdelay $0x3  }
0x92: {  	_ =	strace s17  }
0x93: {  	s2 =	sld [smem:$0x3FFC];
	_ =	sdelay $0x3  }
0x94: {  	_ =	strace s2  }
0x95: {  	s2 =	sld [smem:$0x3FFD];
	_ =	sdelay $0x3  }
0x96: {  	_ =	strace s2  }
0x97: {  	_ =	strace $0x8FFFFFFF  }
0x98: {  	s18 =	sld [smem:$0x3FDB];
	_ =	sdelay $0x1  }
0x99: {  	s19 =	simm.s32 $_scs_section_size  }
0x9a: {  	s4 =	simm.s32 $_size__tile_overlayer_lowered;
	s5 =	simm.s32 $_tile_overlayer_lowered  }
0x9b: {  	s22 =	simm.s32 $0x1BFF;
	s21 =	sshll.u32 s5, $0x1;
	s2 =	sadd.s32 s19, s18  }
0x9c: {  	s6 =	simm.s32 $0x0;
	s20 =	sshll.u32 s4, $0x1;
	s4 =	sadd.s32 s21, s2  }
0x9d: {  	[timem:s6], [sflag:s22] =	dma.local [hbm:s4], s20  }
0x9e: {  	_ =	swait.ge [sflag:s22], s20  }
0x9f: {  	s3 =	ssub.s32 $0x0, s20;
	[sflag:s22] =	ssyncset.done $0x0  }
0xa0: {  	[sflag:s22] =	ssyncadd.s32 s3;
	_ =	sdelay $0x1  }
0xa1: {  	s23 =	simm.s32 $0x1B8B  }
0xa2: {  	_ =	swait.ge [sflag:s23], $0x1  }
0xa3: {  	[sflag:s23] =	ssyncset.done $0x0  }
0xa4: {  	s25 =	simm.s32 $0x1B8E;
	s24 =	sld [smem:$0x3FFE];
	[sflag:s23] =	ssyncadd.s32 $0xFFFFFFFF  }
0xa5: {  	s26 =	simm.s32 $execute0_lowered;
	[smem:$0x3FD2] =	sst s25  }
0xa6: {  	s4 =	sshll.u32 s26, $0x1;
	_ =	strace $0x80000046;
	[dreg:$0x1] =	wrdreg $0xFFFFFFFF  }
0xa7: {  	s28 =	simm.s32 $_size_execute0_lowered;
	s2 =	sadd.s32 s2, s4;
	[dreg:$0x0] =	wrdreg $0x0  }
0xa8: {  	s4 =	sshll.u32 s28, $0x1;
	[dreg:$0x2] =	wrdreg s2  }
0xa9: {  	[dreg:$0x3] =	wrdreg s4  }
0xaa: {  	[dreg:$0x4] =	wrdreg $0xC0  }
0xab: {  	_ =	task [dreg:s6], $0x5FFFF  }
0xac: {  	[dreg:$0x1] =	wrdreg $0xFFFFFFFF  }
0xad: {  	[dreg:$0x0] =	wrdreg $0x60  }
0xae: {  	[dreg:$0x2] =	wrdreg s24  }
0xaf: {  	[dreg:$0x3] =	wrdreg $0x48000  }
0xb0: {  	[dreg:$0x4] =	wrdreg $0x9  }
0xb1: {  	_ =	task.clear_ibuf [dreg:s6], $0x5FFFF;
	_ =	strace $0x90000046  }
0xb2: {  	s29 =	simm.s32 $0x9;
	_ =	strace $0x80000048  }
0xb3: {  	_ =	swait.ge [sflag:s29], $0x1  }
0xb4: {  	[sflag:s29] =	ssyncadd.s32 $0xFFFFFFFF  }
0xb5: {  	_ =	strace $0x90000048  }
0xb6: {  	_ =	sfence  }
0xb7: {  	s30 =	sld [smem:$0x0];
	_ =	sdelay $0x2  }
0xb8: {  	s31 =	sshll.u32 s1, $0xD;
	s1 =	sshrl.u32 s1, $0x2  }
0xb9: {  	s3 =	sand.u32 $0x4000, s31;
	s1 =	sadd.s32 s1, s30  }
0xba: {  	s0 =	sor.u32 s3, s0;
	s1 =	sshll.u32 s1, $0x11  }
0xbb: {  	s0 =	sor.u32 s1, s0  }
0xbc: {  	s0 =	sadd.s32 $0x8F2B, s0  }
0xbd: {  	[sflag:s0] =	ssyncadd.remote.s32 $0x1  }
0xbe: {  	_ =	sfence.sel $0xFFFF  }
0xbf: {  	[dreg:$0x0] =	wrdreg $0xFFFFFFFF;
	(pc) =	sbr.abs _section_cstart, $3  }
0xc0: {  	[dreg:$0x1] =	wrdreg $0xFFFFFFFF  }
0xc1: {  	_ =	task.clear_ibuf [dreg:s6], $0x2FFFF;
	_ =	strace $0x9FFFFFFF  }
0xc2: {  	(tm) =	ssettm $0x7FFFFFFF  }
0xc3: {  	_ =	shalt  }
tec
execute0_lowered:
.L_overlay_start_1:
0x0: {  	(tag) =	ssettag $0x1  }
0x1: {  	s1 =	srdreg.scid;
	s4 =	rddreg [dreg:$0x0]  }
0x2: {  	s0 =	stileid.u32;
	s2 =	rddreg [dreg:$0x1]  }
0x3: {  	s3 =	simm.s32 $0x0;
	s12 =	simm.s32 $0x800;
	s13 =	simm.s32 $0x100  }
0x4: {  	s14 =	simm.s32 $0x180;
	s15 =	simm.s32 $0x200;
	s16 =	simm.s32 $0x280  }
0x5: {  	s17 =	simm.s32 $0x300;
	s18 =	simm.s32 $0x380;
	s19 =	simm.s32 $0x400  }
0x6: {  	s20 =	simm.s32 $0x480;
	s21 =	simm.s32 $0x500;
	s6 =	smul.u32 $0x5000, s0  }
0x7: {  	s22 =	simm.s32 $0x580;
	s23 =	simm.s32 $0x600;
	s25 =	smul.u32 $0x2780, s0  }
0x8: {  	s24 =	simm.s32 $0x680;
	s5 =	sand.u32 $0x1, s1;
	s26 =	smul.u32 $0x4F000, s0  }
0x9: {  	s28 =	simm.s32 $0x0;
	[smem:$0x7FF] =	sst s3;
	s7 =	smul.u32 $0x2800, s5  }
0xa: {  	s31 =	sshll.u32 s0, $0x6;
	s8 =	smul.u32 $0x27800, s5;
	s5 =	ssub.s32 $0x2, s5  }
0xb: {  	_ =	strace $0x80000047;
	s10 =	sadd.s32 s25, s4;
	s29 =	sshrl.u32 s5, $0x1  }
0xc: {  	s6 =	sadd.s32 s7, s6;
	s7 =	sadd.s32 s25, s8;
	s30 =	ssub.s32 s5, s29  }
0xd: {  	s5 =	sor.u32 $0x1C01, s31;
	s25 =	simm.s32 $0x700;
	s6 =	sshrl.u32 s6, $0x3  }
0xe: {  	s7 =	sadd.s32 s7, s4;
	s9 =	sadd.s32 s6, s4;
	s6 =	sshrl.u32 s26, $0x2  }
0xf: {  	s4 =	sadd.s32 $0xC000, s10;
	s10 =	simm.s32 $0x1;
	s26 =	simm.s32 $0x780  }
0x10: {  	s11 =	sadd.s32 s6, s2;
	s6 =	sadd.s32 $0x33800, s7;
	s7 =	smax.u32 s30, $0x1  }
0x11: {  	v0 =	vimm.f32 $1.000000000e+00;
	s8 =	sadd.s32 $0x2000, s9;
	s9 =	sshrl.u32 s11, $0x3;
	s11 =	simm.s32 $0x80  }
.LBB2_1:
0x12: {  	[spmem:s9], [sflag:s5] =	dma.local [hbm:s4], $0x2780  }
0x13: {  	_ =	swait.ge [sflag:s10], $0x2780  }
0x14: {  	[sflag:s10] =	ssyncset.done $0x0  }
0x15: {  	s29 =	simm.s32 $0x0;
	s30 =	simm.s32 $0x200;
	[sflag:s10] =	ssyncadd.s32 $0xFFFFD880  }
.LBB2_2:
0x16: {  	p0 =	sne.s32 s30, $0xFE00;
	[tilespmem:s29+$0x870] =	vst v0  }
0x17: {  	[tilespmem:s29+$0x800] =	vst v0  }
0x18: {  	[tilespmem:s29+$0x810] =	vst v0  }
.Ltmp0:
0x19: {  	[tilespmem:s29+$0x820] =	vst v0;
	(pc) =	sbr.rel @p0 .LBB2_2-.Ltmp0, $4  }
0x1a: {  	[tilespmem:s29+$0x830] =	vst v0  }
0x1b: {  	[tilespmem:s29+$0x840] =	vst v0  }
0x1c: {  	[tilespmem:s29+$0x850] =	vst v0  }
0x1d: {  	[tilespmem:s29+$0x860] =	vst v0;
	s29 =	sshra.s32 s30, $0x2;
	s30 =	sadd.s32 $0x200, s30  }
0x1e: {  	[tilespmem:s29+$0x870] =	vst v0  }
0x1f: {  	[tilespmem:s29+$0x800] =	vst v0  }
0x20: {  	[tilespmem:s29+$0x810] =	vst v0  }
0x21: {  	[tilespmem:s29+$0x820] =	vst v0  }
0x22: {  	[tilespmem:s29+$0x830] =	vst v0  }
0x23: {  	[tilespmem:s29+$0x840] =	vst v0  }
0x24: {  	[tilespmem:s29+$0x850] =	vst v0  }
0x25: {  	[tilespmem:s29+$0x860] =	vst v0  }
0x26: {  	s29 =	sadd.s32 $0x0, s8;
	[bflag:$0x0] =	sbarrier.arrive $0xFFFF  }
0x27: {  	[tilespmem:s3], [sflag:$0x1] =	stream.linear.gather [hbm4b:s29+s3], $0x800, $0x38;
	[tilespmem:$0x18400] =	vst v63  }
0x28: {  	_ =	swait.ge [sflag:s10], $0x800  }
0x29: {  	[sflag:s10] =	ssyncset.done $0x0  }
0x2a: {  	[sflag:s10] =	ssyncadd.s32 $0xFFFFF800  }
0x2b: {  	[spmem:s2] =	stream.indirect.scatter.add.f32 [tilespmem:s12], [sflag:$0x1], $0x80, s3, s11, $0xb8;
	[tilespmem:$0x18400] =	vst v63  }
0x2c: {  	_ =	swait.ge [sflag:s10], $0x4000  }
0x2d: {  	[sflag:s10] =	ssyncset.done $0x0  }
0x2e: {  	[sflag:s10] =	ssyncadd.s32 $0xFFFFC000  }
0x2f: {  	[spmem:s2] =	stream.indirect.scatter.add.f32 [tilespmem:s12], [sflag:$0x1], $0x80, s11, s11, $0xb8;
	[tilespmem:$0x18400] =	vst v63  }
0x30: {  	_ =	swait.ge [sflag:s10], $0x4000  }
0x31: {  	[sflag:s10] =	ssyncset.done $0x0  }
0x32: {  	[sflag:s10] =	ssyncadd.s32 $0xFFFFC000  }
0x33: {  	[spmem:s2] =	stream.indirect.scatter.add.f32 [tilespmem:s12], [sflag:$0x1], $0x80, s13, s11, $0xb8;
	[tilespmem:$0x18400] =	vst v63  }
0x34: {  	_ =	swait.ge [sflag:s10], $0x4000  }
0x35: {  	[sflag:s10] =	ssyncset.done $0x0  }
0x36: {  	[sflag:s10] =	ssyncadd.s32 $0xFFFFC000  }
0x37: {  	[spmem:s2] =	stream.indirect.scatter.add.f32 [tilespmem:s12], [sflag:$0x1], $0x80, s14, s11, $0xb8;
	[tilespmem:$0x18400] =	vst v63  }
0x38: {  	_ =	swait.ge [sflag:s10], $0x4000  }
0x39: {  	[sflag:s10] =	ssyncset.done $0x0  }
0x3a: {  	[sflag:s10] =	ssyncadd.s32 $0xFFFFC000  }
0x3b: {  	[spmem:s2] =	stream.indirect.scatter.add.f32 [tilespmem:s12], [sflag:$0x1], $0x80, s15, s11, $0xb8;
	[tilespmem:$0x18400] =	vst v63  }
0x3c: {  	_ =	swait.ge [sflag:s10], $0x4000  }
0x3d: {  	[sflag:s10] =	ssyncset.done $0x0  }
0x3e: {  	[sflag:s10] =	ssyncadd.s32 $0xFFFFC000  }
0x3f: {  	[spmem:s2] =	stream.indirect.scatter.add.f32 [tilespmem:s12], [sflag:$0x1], $0x80, s16, s11, $0xb8;
	[tilespmem:$0x18400] =	vst v63  }
0x40: {  	_ =	swait.ge [sflag:s10], $0x4000  }
0x41: {  	[sflag:s10] =	ssyncset.done $0x0  }
0x42: {  	[sflag:s10] =	ssyncadd.s32 $0xFFFFC000  }
0x43: {  	[spmem:s2] =	stream.indirect.scatter.add.f32 [tilespmem:s12], [sflag:$0x1], $0x80, s17, s11, $0xb8;
	[tilespmem:$0x18400] =	vst v63  }
0x44: {  	_ =	swait.ge [sflag:s10], $0x4000  }
0x45: {  	[sflag:s10] =	ssyncset.done $0x0  }
0x46: {  	[sflag:s10] =	ssyncadd.s32 $0xFFFFC000  }
0x47: {  	[spmem:s2] =	stream.indirect.scatter.add.f32 [tilespmem:s12], [sflag:$0x1], $0x80, s18, s11, $0xb8;
	[tilespmem:$0x18400] =	vst v63  }
0x48: {  	_ =	swait.ge [sflag:s10], $0x4000  }
0x49: {  	[sflag:s10] =	ssyncset.done $0x0  }
0x4a: {  	[sflag:s10] =	ssyncadd.s32 $0xFFFFC000  }
0x4b: {  	[spmem:s2] =	stream.indirect.scatter.add.f32 [tilespmem:s12], [sflag:$0x1], $0x80, s19, s11, $0xb8;
	[tilespmem:$0x18400] =	vst v63  }
0x4c: {  	_ =	swait.ge [sflag:s10], $0x4000  }
0x4d: {  	[sflag:s10] =	ssyncset.done $0x0  }
0x4e: {  	[sflag:s10] =	ssyncadd.s32 $0xFFFFC000  }
0x4f: {  	[spmem:s2] =	stream.indirect.scatter.add.f32 [tilespmem:s12], [sflag:$0x1], $0x80, s20, s11, $0xb8;
	[tilespmem:$0x18400] =	vst v63  }
0x50: {  	_ =	swait.ge [sflag:s10], $0x4000  }
0x51: {  	[sflag:s10] =	ssyncset.done $0x0  }
0x52: {  	[sflag:s10] =	ssyncadd.s32 $0xFFFFC000  }
0x53: {  	[spmem:s2] =	stream.indirect.scatter.add.f32 [tilespmem:s12], [sflag:$0x1], $0x80, s21, s11, $0xb8;
	[tilespmem:$0x18400] =	vst v63  }
0x54: {  	_ =	swait.ge [sflag:s10], $0x4000  }
0x55: {  	[sflag:s10] =	ssyncset.done $0x0  }
0x56: {  	[sflag:s10] =	ssyncadd.s32 $0xFFFFC000  }
0x57: {  	[spmem:s2] =	stream.indirect.scatter.add.f32 [tilespmem:s12], [sflag:$0x1], $0x80, s22, s11, $0xb8;
	[tilespmem:$0x18400] =	vst v63  }
0x58: {  	_ =	swait.ge [sflag:s10], $0x4000  }
0x59: {  	[sflag:s10] =	ssyncset.done $0x0  }
0x5a: {  	[sflag:s10] =	ssyncadd.s32 $0xFFFFC000  }
0x5b: {  	[spmem:s2] =	stream.indirect.scatter.add.f32 [tilespmem:s12], [sflag:$0x1], $0x80, s23, s11, $0xb8;
	[tilespmem:$0x18400] =	vst v63  }
0x5c: {  	_ =	swait.ge [sflag:s10], $0x4000  }
0x5d: {  	[sflag:s10] =	ssyncset.done $0x0  }
0x5e: {  	[sflag:s10] =	ssyncadd.s32 $0xFFFFC000  }
0x5f: {  	[spmem:s2] =	stream.indirect.scatter.add.f32 [tilespmem:s12], [sflag:$0x1], $0x80, s24, s11, $0xb8;
	[tilespmem:$0x18400] =	vst v63  }
0x60: {  	_ =	swait.ge [sflag:s10], $0x4000  }
0x61: {  	[sflag:s10] =	ssyncset.done $0x0  }
0x62: {  	[sflag:s10] =	ssyncadd.s32 $0xFFFFC000  }
0x63: {  	[spmem:s2] =	stream.indirect.scatter.add.f32 [tilespmem:s12], [sflag:$0x1], $0x80, s25, s11, $0xb8;
	[tilespmem:$0x18400] =	vst v63  }
0x64: {  	_ =	swait.ge [sflag:s10], $0x4000  }
0x65: {  	[sflag:s10] =	ssyncset.done $0x0  }
0x66: {  	[sflag:s10] =	ssyncadd.s32 $0xFFFFC000  }
0x67: {  	[spmem:s2] =	stream.indirect.scatter.add.f32 [tilespmem:s12], [sflag:$0x1], $0x80, s26, s11, $0xb8;
	[tilespmem:$0x18400] =	vst v63  }
0x68: {  	_ =	swait.ge [sflag:s10], $0x4000  }
0x69: {  	s31 =	simm.s32 $0x200;
	s29 =	simm.s32 $0x100;
	[sflag:s10] =	ssyncset.done $0x0  }
.LBB2_4:
0x6a: {  	s1 =	sadd.s32 s29, s8  }
0x6b: {  	[sflag:s10] =	ssyncadd.s32 $0xFFFFC000;
	s29 =	smov.u32 s31;
	s30 =	sadd.s32 $0x100, s31  }
0x6c: {  	[tilespmem:s3], [sflag:$0x1] =	stream.linear.gather [hbm4b:s1+s3], $0x800, $0x38;
	[tilespmem:$0x18400] =	vst v63  }
0x6d: {  	p0 =	sne.s32 s31, $0x400;
	_ =	swait.ge [sflag:s10], $0x800  }
0x6e: {  	[sflag:s10] =	ssyncset.done $0x0  }
0x6f: {  	[sflag:s10] =	ssyncadd.s32 $0xFFFFF800  }
0x70: {  	[spmem:s2] =	stream.indirect.scatter.add.f32 [tilespmem:s12], [sflag:$0x1], $0x80, s3, s11, $0xb8;
	[tilespmem:$0x18400] =	vst v63  }
0x71: {  	_ =	swait.ge [sflag:s10], $0x4000  }
0x72: {  	[sflag:s10] =	ssyncset.done $0x0  }
0x73: {  	[sflag:s10] =	ssyncadd.s32 $0xFFFFC000  }
0x74: {  	[spmem:s2] =	stream.indirect.scatter.add.f32 [tilespmem:s12], [sflag:$0x1], $0x80, s11, s11, $0xb8;
	[tilespmem:$0x18400] =	vst v63  }
0x75: {  	_ =	swait.ge [sflag:s10], $0x4000  }
0x76: {  	[sflag:s10] =	ssyncset.done $0x0  }
0x77: {  	[sflag:s10] =	ssyncadd.s32 $0xFFFFC000  }
0x78: {  	[spmem:s2] =	stream.indirect.scatter.add.f32 [tilespmem:s12], [sflag:$0x1], $0x80, s13, s11, $0xb8;
	[tilespmem:$0x18400] =	vst v63  }
0x79: {  	_ =	swait.ge [sflag:s10], $0x4000  }
0x7a: {  	[sflag:s10] =	ssyncset.done $0x0  }
0x7b: {  	[sflag:s10] =	ssyncadd.s32 $0xFFFFC000  }
0x7c: {  	[spmem:s2] =	stream.indirect.scatter.add.f32 [tilespmem:s12], [sflag:$0x1], $0x80, s14, s11, $0xb8;
	[tilespmem:$0x18400] =	vst v63  }
0x7d: {  	_ =	swait.ge [sflag:s10], $0x4000  }
0x7e: {  	[sflag:s10] =	ssyncset.done $0x0  }
0x7f: {  	[sflag:s10] =	ssyncadd.s32 $0xFFFFC000  }
0x80: {  	[spmem:s2] =	stream.indirect.scatter.add.f32 [tilespmem:s12], [sflag:$0x1], $0x80, s15, s11, $0xb8;
	[tilespmem:$0x18400] =	vst v63  }
0x81: {  	_ =	swait.ge [sflag:s10], $0x4000  }
0x82: {  	[sflag:s10] =	ssyncset.done $0x0  }
0x83: {  	[sflag:s10] =	ssyncadd.s32 $0xFFFFC000  }
0x84: {  	[spmem:s2] =	stream.indirect.scatter.add.f32 [tilespmem:s12], [sflag:$0x1], $0x80, s16, s11, $0xb8;
	[tilespmem:$0x18400] =	vst v63  }
0x85: {  	_ =	swait.ge [sflag:s10], $0x4000  }
0x86: {  	[sflag:s10] =	ssyncset.done $0x0  }
0x87: {  	[sflag:s10] =	ssyncadd.s32 $0xFFFFC000  }
0x88: {  	[spmem:s2] =	stream.indirect.scatter.add.f32 [tilespmem:s12], [sflag:$0x1], $0x80, s17, s11, $0xb8;
	[tilespmem:$0x18400] =	vst v63  }
0x89: {  	_ =	swait.ge [sflag:s10], $0x4000  }
0x8a: {  	[sflag:s10] =	ssyncset.done $0x0  }
0x8b: {  	[sflag:s10] =	ssyncadd.s32 $0xFFFFC000  }
0x8c: {  	[spmem:s2] =	stream.indirect.scatter.add.f32 [tilespmem:s12], [sflag:$0x1], $0x80, s18, s11, $0xb8;
	[tilespmem:$0x18400] =	vst v63  }
0x8d: {  	_ =	swait.ge [sflag:s10], $0x4000  }
0x8e: {  	[sflag:s10] =	ssyncset.done $0x0  }
0x8f: {  	[sflag:s10] =	ssyncadd.s32 $0xFFFFC000  }
0x90: {  	[spmem:s2] =	stream.indirect.scatter.add.f32 [tilespmem:s12], [sflag:$0x1], $0x80, s19, s11, $0xb8;
	[tilespmem:$0x18400] =	vst v63  }
0x91: {  	_ =	swait.ge [sflag:s10], $0x4000  }
0x92: {  	[sflag:s10] =	ssyncset.done $0x0  }
0x93: {  	[sflag:s10] =	ssyncadd.s32 $0xFFFFC000  }
0x94: {  	[spmem:s2] =	stream.indirect.scatter.add.f32 [tilespmem:s12], [sflag:$0x1], $0x80, s20, s11, $0xb8;
	[tilespmem:$0x18400] =	vst v63  }
0x95: {  	_ =	swait.ge [sflag:s10], $0x4000  }
0x96: {  	[sflag:s10] =	ssyncset.done $0x0  }
0x97: {  	[sflag:s10] =	ssyncadd.s32 $0xFFFFC000  }
0x98: {  	[spmem:s2] =	stream.indirect.scatter.add.f32 [tilespmem:s12], [sflag:$0x1], $0x80, s21, s11, $0xb8;
	[tilespmem:$0x18400] =	vst v63  }
0x99: {  	_ =	swait.ge [sflag:s10], $0x4000  }
0x9a: {  	[sflag:s10] =	ssyncset.done $0x0  }
0x9b: {  	[sflag:s10] =	ssyncadd.s32 $0xFFFFC000  }
0x9c: {  	[spmem:s2] =	stream.indirect.scatter.add.f32 [tilespmem:s12], [sflag:$0x1], $0x80, s22, s11, $0xb8;
	[tilespmem:$0x18400] =	vst v63  }
0x9d: {  	_ =	swait.ge [sflag:s10], $0x4000  }
0x9e: {  	[sflag:s10] =	ssyncset.done $0x0  }
0x9f: {  	[sflag:s10] =	ssyncadd.s32 $0xFFFFC000  }
0xa0: {  	[spmem:s2] =	stream.indirect.scatter.add.f32 [tilespmem:s12], [sflag:$0x1], $0x80, s23, s11, $0xb8;
	[tilespmem:$0x18400] =	vst v63  }
0xa1: {  	_ =	swait.ge [sflag:s10], $0x4000  }
0xa2: {  	[sflag:s10] =	ssyncset.done $0x0  }
0xa3: {  	[sflag:s10] =	ssyncadd.s32 $0xFFFFC000  }
0xa4: {  	[spmem:s2] =	stream.indirect.scatter.add.f32 [tilespmem:s12], [sflag:$0x1], $0x80, s24, s11, $0xb8;
	[tilespmem:$0x18400] =	vst v63  }
0xa5: {  	_ =	swait.ge [sflag:s10], $0x4000  }
0xa6: {  	[sflag:s10] =	ssyncset.done $0x0  }
0xa7: {  	[sflag:s10] =	ssyncadd.s32 $0xFFFFC000  }
0xa8: {  	[spmem:s2] =	stream.indirect.scatter.add.f32 [tilespmem:s12], [sflag:$0x1], $0x80, s25, s11, $0xb8;
	[tilespmem:$0x18400] =	vst v63  }
0xa9: {  	_ =	swait.ge [sflag:s10], $0x4000  }
.Ltmp1:
0xaa: {  	[sflag:s10] =	ssyncset.done $0x0;
	(pc) =	sbr.rel @p0 .LBB2_4-.Ltmp1, $4  }
0xab: {  	[sflag:s10] =	ssyncadd.s32 $0xFFFFC000  }
0xac: {  	[spmem:s2] =	stream.indirect.scatter.add.f32 [tilespmem:s12], [sflag:$0x1], $0x80, s26, s11, $0xb8;
	[tilespmem:$0x18400] =	vst v63  }
0xad: {  	_ =	swait.ge [sflag:s10], $0x4000  }
0xae: {  	s31 =	smov.u32 s30;
	[sflag:s10] =	ssyncset.done $0x0  }
0xaf: {  	s1 =	sadd.s32 s29, s8;
	[sflag:s10] =	ssyncadd.s32 $0xFFFFC000  }
0xb0: {  	[tilespmem:s3], [sflag:$0x1] =	stream.linear.gather [hbm4b:s1+s3], $0x800, $0x38;
	[tilespmem:$0x18400] =	vst v63  }
0xb1: {  	_ =	swait.ge [sflag:s10], $0x800  }
0xb2: {  	[sflag:s10] =	ssyncset.done $0x0  }
0xb3: {  	[sflag:s10] =	ssyncadd.s32 $0xFFFFF800  }
0xb4: {  	[spmem:s2] =	stream.indirect.scatter.add.f32 [tilespmem:s12], [sflag:$0x1], $0x80, s3, s11, $0xb8;
	[tilespmem:$0x18400] =	vst v63  }
0xb5: {  	_ =	swait.ge [sflag:s10], $0x4000  }
0xb6: {  	[sflag:s10] =	ssyncset.done $0x0  }
0xb7: {  	[sflag:s10] =	ssyncadd.s32 $0xFFFFC000  }
0xb8: {  	[spmem:s2] =	stream.indirect.scatter.add.f32 [tilespmem:s12], [sflag:$0x1], $0x80, s11, s11, $0xb8;
	[tilespmem:$0x18400] =	vst v63  }
0xb9: {  	_ =	swait.ge [sflag:s10], $0x4000  }
0xba: {  	[sflag:s10] =	ssyncset.done $0x0  }
0xbb: {  	[sflag:s10] =	ssyncadd.s32 $0xFFFFC000  }
0xbc: {  	[spmem:s2] =	stream.indirect.scatter.add.f32 [tilespmem:s12], [sflag:$0x1], $0x80, s13, s11, $0xb8;
	[tilespmem:$0x18400] =	vst v63  }
0xbd: {  	_ =	swait.ge [sflag:s10], $0x4000  }
0xbe: {  	[sflag:s10] =	ssyncset.done $0x0  }
0xbf: {  	[sflag:s10] =	ssyncadd.s32 $0xFFFFC000  }
0xc0: {  	[spmem:s2] =	stream.indirect.scatter.add.f32 [tilespmem:s12], [sflag:$0x1], $0x80, s14, s11, $0xb8;
	[tilespmem:$0x18400] =	vst v63  }
0xc1: {  	_ =	swait.ge [sflag:s10], $0x4000  }
0xc2: {  	[sflag:s10] =	ssyncset.done $0x0  }
0xc3: {  	[sflag:s10] =	ssyncadd.s32 $0xFFFFC000  }
0xc4: {  	[spmem:s2] =	stream.indirect.scatter.add.f32 [tilespmem:s12], [sflag:$0x1], $0x80, s15, s11, $0xb8;
	[tilespmem:$0x18400] =	vst v63  }
0xc5: {  	_ =	swait.ge [sflag:s10], $0x4000  }
0xc6: {  	[sflag:s10] =	ssyncset.done $0x0  }
0xc7: {  	[sflag:s10] =	ssyncadd.s32 $0xFFFFC000  }
0xc8: {  	[spmem:s2] =	stream.indirect.scatter.add.f32 [tilespmem:s12], [sflag:$0x1], $0x80, s16, s11, $0xb8;
	[tilespmem:$0x18400] =	vst v63  }
0xc9: {  	_ =	swait.ge [sflag:s10], $0x4000  }
0xca: {  	[sflag:s10] =	ssyncset.done $0x0  }
0xcb: {  	[sflag:s10] =	ssyncadd.s32 $0xFFFFC000  }
0xcc: {  	[spmem:s2] =	stream.indirect.scatter.add.f32 [tilespmem:s12], [sflag:$0x1], $0x80, s17, s11, $0xb8;
	[tilespmem:$0x18400] =	vst v63  }
0xcd: {  	_ =	swait.ge [sflag:s10], $0x4000  }
0xce: {  	[sflag:s10] =	ssyncset.done $0x0  }
0xcf: {  	[sflag:s10] =	ssyncadd.s32 $0xFFFFC000  }
0xd0: {  	[spmem:s2] =	stream.indirect.scatter.add.f32 [tilespmem:s12], [sflag:$0x1], $0x80, s18, s11, $0xb8;
	[tilespmem:$0x18400] =	vst v63  }
0xd1: {  	_ =	swait.ge [sflag:s10], $0x4000  }
0xd2: {  	[sflag:s10] =	ssyncset.done $0x0  }
0xd3: {  	[sflag:s10] =	ssyncadd.s32 $0xFFFFC000  }
0xd4: {  	[spmem:s2] =	stream.indirect.scatter.add.f32 [tilespmem:s12], [sflag:$0x1], $0x80, s19, s11, $0xb8;
	[tilespmem:$0x18400] =	vst v63  }
0xd5: {  	_ =	swait.ge [sflag:s10], $0x4000  }
0xd6: {  	[sflag:s10] =	ssyncset.done $0x0  }
0xd7: {  	[sflag:s10] =	ssyncadd.s32 $0xFFFFC000  }
0xd8: {  	[spmem:s2] =	stream.indirect.scatter.add.f32 [tilespmem:s12], [sflag:$0x1], $0x80, s20, s11, $0xb8;
	[tilespmem:$0x18400] =	vst v63  }
0xd9: {  	_ =	swait.ge [sflag:s10], $0x4000  }
0xda: {  	[sflag:s10] =	ssyncset.done $0x0  }
0xdb: {  	[sflag:s10] =	ssyncadd.s32 $0xFFFFC000  }
0xdc: {  	[spmem:s2] =	stream.indirect.scatter.add.f32 [tilespmem:s12], [sflag:$0x1], $0x80, s21, s11, $0xb8;
	[tilespmem:$0x18400] =	vst v63  }
0xdd: {  	_ =	swait.ge [sflag:s10], $0x4000  }
0xde: {  	[sflag:s10] =	ssyncset.done $0x0  }
0xdf: {  	[sflag:s10] =	ssyncadd.s32 $0xFFFFC000  }
0xe0: {  	[spmem:s2] =	stream.indirect.scatter.add.f32 [tilespmem:s12], [sflag:$0x1], $0x80, s22, s11, $0xb8;
	[tilespmem:$0x18400] =	vst v63  }
0xe1: {  	_ =	swait.ge [sflag:s10], $0x4000  }
0xe2: {  	[sflag:s10] =	ssyncset.done $0x0  }
0xe3: {  	[sflag:s10] =	ssyncadd.s32 $0xFFFFC000  }
0xe4: {  	[spmem:s2] =	stream.indirect.scatter.add.f32 [tilespmem:s12], [sflag:$0x1], $0x80, s23, s11, $0xb8;
	[tilespmem:$0x18400] =	vst v63  }
0xe5: {  	_ =	swait.ge [sflag:s10], $0x4000  }
0xe6: {  	[sflag:s10] =	ssyncset.done $0x0  }
0xe7: {  	[sflag:s10] =	ssyncadd.s32 $0xFFFFC000  }
0xe8: {  	[spmem:s2] =	stream.indirect.scatter.add.f32 [tilespmem:s12], [sflag:$0x1], $0x80, s24, s11, $0xb8;
	[tilespmem:$0x18400] =	vst v63  }
0xe9: {  	_ =	swait.ge [sflag:s10], $0x4000  }
0xea: {  	[sflag:s10] =	ssyncset.done $0x0  }
0xeb: {  	[sflag:s10] =	ssyncadd.s32 $0xFFFFC000  }
0xec: {  	[spmem:s2] =	stream.indirect.scatter.add.f32 [tilespmem:s12], [sflag:$0x1], $0x80, s25, s11, $0xb8;
	[tilespmem:$0x18400] =	vst v63  }
0xed: {  	_ =	swait.ge [sflag:s10], $0x4000  }
0xee: {  	[sflag:s10] =	ssyncset.done $0x0  }
0xef: {  	[sflag:s10] =	ssyncadd.s32 $0xFFFFC000  }
0xf0: {  	[spmem:s2] =	stream.indirect.scatter.add.f32 [tilespmem:s12], [sflag:$0x1], $0x80, s26, s11, $0xb8;
	[tilespmem:$0x18400] =	vst v63  }
0xf1: {  	_ =	swait.ge [sflag:s10], $0x4000  }
0xf2: {  	s28 =	sadd.s32 $0x1, s28;
	[sflag:s10] =	ssyncset.done $0x0  }
0xf3: {  	p0 =	sne.s32 s28, s7;
	[sflag:s10] =	ssyncadd.s32 $0xFFFFC000  }
.Ltmp2:
0xf4: {  	[bflag:$0x0] =	sbarrier.arrive $0xFFFF;
	(pc) =	sbr.rel @p0 .LBB2_1-.Ltmp2, $4  }
0xf5: {  	[hbm:s6], [sflag:s5] =	dma.local [spmem:s9], $0x2780  }
0xf6: {  	_ =	swait.ge [sflag:s10], $0x2780  }
0xf7: {  	[sflag:s10] =	ssyncset.done $0x0  }
0xf8: {  	[sflag:s10] =	ssyncadd.s32 $0xFFFFD880  }
0xf9: {  	_ =	sfence.sel $0x180000  }
0xfa: {  	[bflag:$0x0] =	sbarrier.arrive $0xFFFF  }
0xfb: {  	_ =	strace $0x90000047  }
0xfc: {  	[bflag:$0x2] =	sbarrier.arrive $0xFFFF  }
0xfd: {  	p0 =	sne.s32 s0, $0x0;
	s0 =	rddreg [dreg:$0x2]  }
0xfe: {  	s0 =	sadd.s32 @!p0 $0x100000, s0  }
0xff: {  	[sflag:s0] =	ssyncadd.tile.s32 @!p0 $0x1;
	_ =	shalt  }
.Lfunc_end2:
_tile_overlayer_lowered:
.L_overlay_start_2:
0x100: {  	(tag) =	ssettag $0x2  }
0x101: {  	s0 =	rddreg [dreg:$0x0];
	s2 =	stileid.u32  }
0x102: {  	s1 =	rddreg [dreg:$0x1];
	p0 =	sne.s32 s2, $0x0  }
0x103: {  	s3 =	rddreg [dreg:$0x2];
	[bflag:$0x3] =	sbarrier.arrive $0xFFFF;
	s2 =	simm.s32 @!p0 $0x1C01  }
0x104: {  	[timem:s3], [sflag:s2] =	dma.local @!p0 [hbm:s0], s1  }
0x105: {  	s0 =	simm.s32 @!p0 $0x1  }
0x106: {  	_ =	swait.ge @!p0 [sflag:s0], s1  }
0x107: {  	s1 =	ssub.s32 @!p0 $0x0, s1;
	[sflag:s0] =	ssyncset.done @!p0 $0x0  }
0x108: {  	[sflag:s0] =	ssyncadd.s32 @!p0 s1  }
0x109: {  	[bflag:$0x3] =	sbarrier.arrive $0xFFFF  }
0x10a: {  	_ =	shalt  }

</sc_bundles>
